<compile_context>
chip_gen: v7x
topology: tpu7x:2x2x1
jax: 0.10.2.dev20260603
libtpu: 0.0.44.dev20260713+nightly
codegen_flags: <defaults>
</compile_context>

<pallas_src>
import jax
import jax.numpy as jnp
from jax import lax
from jax.experimental import pallas as pl
from jax.experimental.pallas import tpu as pltpu
from jax.experimental.pallas import tpu_sc as plsc

_LQ = 1024
_LK = 1024
_D = 256
_ROWS = 9
_MAXK = 4
_T = 4096
_MID = _T // 2 - 2

_NC = 2
_NS = 16
_ROWS_PER_TILE = _LQ // (_NC * _NS)


def _build_body(off_ref, pe_ref, t8_ref):
    s = pl.program_id(0)
    u = jax.lax.broadcasted_iota(jnp.int32, (_T, _D), 0)
    c = jnp.clip(u + s - _MID + off_ref[0], -_MAXK, _MAXK) + _MAXK
    acc = jnp.zeros((_T, _D), jnp.float32)
    for r in range(_ROWS):
        acc = jnp.where(c == r, pe_ref[r, :][None, :], acc)
    t8_ref[0] = acc


def _build_template(off, pe):
    return pl.pallas_call(
        _build_body,
        grid=(8,),
        in_specs=[
            pl.BlockSpec(memory_space=pltpu.SMEM),
            pl.BlockSpec((_ROWS, _D), lambda s: (0, 0)),
        ],
        out_specs=pl.BlockSpec((1, _T, _D), lambda s: (s, 0, 0)),
        out_shape=jax.ShapeDtypeStruct((8, _T, _D), jnp.float32),
    )(off, pe)


_CK = 256
_NP = _LK // _CK
_WIN = 784


def _sc_copy_body(t8_hbm, out_hbm, shared, stage_sem, sem):
    cid = lax.axis_index("c")
    sid = lax.axis_index("s")
    wid = cid * _NS + sid
    b0 = pl.multiple_of(1528 - 512 * cid, 8)

    for kp in range(_NP):
        @pl.when(sid < 8)
        def _(kp=kp):
            pltpu.async_copy(
                t8_hbm.at[sid, pl.ds(pl.multiple_of(b0 + _CK * kp, 8), _WIN), :],
                shared.at[sid],
                stage_sem,
            ).wait()

        plsc.subcore_barrier()

        def _row(j, carry):
            q = wid * _ROWS_PER_TILE + j
            start = _MID - q
            s = lax.rem(start, 8)
            roff = pl.multiple_of(start - s - b0, 8)
            pltpu.async_copy(
                shared.at[s, pl.ds(roff, _CK), :],
                out_hbm.at[q, pl.ds(_CK * kp, _CK), :],
                sem,
            )
            return carry

        lax.fori_loop(0, _ROWS_PER_TILE, _row, 0)

        def _drain(j, carry):
            pltpu.make_async_copy(
                shared.at[0, pl.ds(0, _CK), :],
                out_hbm.at[0, pl.ds(0, _CK), :],
                sem,
            ).wait()
            return carry

        lax.fori_loop(0, _ROWS_PER_TILE, _drain, 0)

        plsc.subcore_barrier()


_sc_copy = pl.kernel(
    _sc_copy_body,
    out_type=jax.ShapeDtypeStruct((_LQ, _LK, _D), jnp.float32),
    mesh=plsc.VectorSubcoreMesh(
        core_axis_name="c", subcore_axis_name="s",
        num_cores=_NC, num_subcores=_NS,
    ),
    scratch_types=[
        pltpu.VMEM_SHARED((8, _WIN, _D), jnp.float32),
        pltpu.SemaphoreType.DMA,
        pltpu.SemaphoreType.DMA,
    ],
)


def kernel(length_q, length_k, pe):
    off = jnp.asarray(length_k - length_q, jnp.int32).reshape((1,))
    t8 = _build_template(off, pe)
    return _sc_copy(t8)

# --- scband reference (transcript-rebuilt; emitter-appended) ---
"""Pipeline reference for scband-relative-position-68616397521552 (READ-ONLY COPY).

The authoritative reference and input builder live on the scoring server;
editing this copy changes nothing except your own understanding.
"""

import jax, jax.numpy as jnp
import numpy as np

MAX_K = 4
D_MODEL = 256
LENGTH_Q = 1024
LENGTH_K = 1024

def setup_inputs(seed: int = 0) -> dict:
    key = jax.random.key(seed)
    rows = MAX_K * 2 + 1
    # torch xavier_uniform_ on a (rows, d_model) tensor: fan_in=d_model, fan_out=rows
    bound = float(np.sqrt(6.0 / (rows + D_MODEL)))
    pe = jax.random.uniform(key, (rows, D_MODEL), dtype=jnp.float32, minval=-bound, maxval=bound)
    return {"length_q": LENGTH_Q, "length_k": LENGTH_K, "pe": pe}

def reference(length_q, length_k, pe):
    range_vec_q = jnp.arange(LENGTH_Q) + (length_q - LENGTH_Q)
    range_vec_k = jnp.arange(LENGTH_K) + (length_k - LENGTH_K)
    distance_mat = range_vec_k[None, :] - range_vec_q[:, None]
    distance_mat_clipped = jnp.clip(distance_mat, -MAX_K, MAX_K)
    final_mat = (distance_mat_clipped + MAX_K).astype(jnp.int32)
    embeddings = jnp.take(pe, final_mat, axis=0)
    return embeddings

if __name__ == "__main__":
    import jax
    _d = setup_inputs()
    print(jax.jit(kernel)(*tuple(_d.values())))

</pallas_src>

<mosaic_0001>
#map = affine_map<(d0, d1) -> (0, 0, 0)>
module attributes {stable_mosaic.version = 14 : i64} {
  func.func @_sc_copy_body(%arg0: i32, %arg1: i32, %arg2: memref<8x4096x256xf32, #tpu.memory_space<hbm>>, %arg3: memref<1024x1024x256xf32, #tpu.memory_space<hbm>>, %arg4: memref<8x784x256xf32, #tpu.memory_space<vmem_shared>>, %arg5: memref<!tpu.dma_semaphore, #tpu.memory_space<semaphore_mem>>, %arg6: memref<!tpu.dma_semaphore, #tpu.memory_space<semaphore_mem>>) attributes {dimension_semantics = [#tpu.dimension_semantics<core_parallel>, #tpu.dimension_semantics<subcore_parallel>], iteration_bounds = array<i64: 2, 16>, scalar_prefetch = 0 : i64, scratch_operands = 3 : i64, tpu.core_type = #tpu.core_type<sc_vector_subcore>, window_params = [{transform_indices = #map}, {transform_indices = #map}]} {
    %mul3A = arith.constant 16 : i32
    %mul3A_0 = arith.muli %arg0, %mul3A : i32
    %add3A = arith.addi %mul3A_0, %arg1 : i32
    %mul3A_1 = arith.constant 512 : i32
    %mul3A_2 = arith.muli %mul3A_1, %arg0 : i32
    %sub3A = arith.constant 1528 : i32
    %sub3A_3 = arith.subi %sub3A, %mul3A_2 : i32
    %multiple_of3A = tpu.assume_multiple %sub3A_3, 8 : i32
    %lt3A = arith.constant 8 : i32
    %lt3A_4 = arith.cmpi slt, %arg1, %lt3A : i32
    %convert_element_type3A = arith.extui %lt3A_4 : i1 to i32
    %cond3A = arith.constant 0 : i32
    %cond3A_5 = arith.cmpi ne, %convert_element_type3A, %cond3A : i32
    scf.if %cond3A_5 {
      %add3A_75 = arith.constant 0 : i32
      %add3A_76 = arith.addi %multiple_of3A, %add3A_75 : i32
      %multiple_of3A_77 = tpu.assume_multiple %add3A_76, 8 : i32
      %dma_start3A = arith.constant 0 : i32
      %dma_start3A_78 = arith.constant 0 : i32
      %dma_start3A_79 = tpu.memref_slice %arg4[%arg1, %dma_start3A, %dma_start3A_78] : memref<8x784x256xf32, #tpu.memory_space<vmem_shared>> -> memref<1x784x256xf32, #tpu.memory_space<vmem_shared>>
      %dma_start3A_80 = tpu.memref_squeeze %dma_start3A_79 : memref<1x784x256xf32, #tpu.memory_space<vmem_shared>> -> memref<784x256xf32, #tpu.memory_space<vmem_shared>>
      %dma_start3A_81 = arith.constant 0 : i32
      %dma_start3A_82 = tpu.memref_slice %arg2[%arg1, %multiple_of3A_77, %dma_start3A_81] : memref<8x4096x256xf32, #tpu.memory_space<hbm>> -> memref<1x784x256xf32, #tpu.memory_space<hbm>>
      %dma_start3A_83 = tpu.memref_squeeze %dma_start3A_82 : memref<1x784x256xf32, #tpu.memory_space<hbm>> -> memref<784x256xf32, #tpu.memory_space<hbm>>
      tpu.enqueue_dma source(%dma_start3A_83 : memref<784x256xf32, #tpu.memory_space<hbm>>) target(%dma_start3A_80 : memref<784x256xf32, #tpu.memory_space<vmem_shared>>) target_semaphore(%arg5 : memref<!tpu.dma_semaphore, #tpu.memory_space<semaphore_mem>>)
      %dma_wait3A = arith.constant 0 : i32
      %dma_wait3A_84 = arith.constant 0 : i32
      %dma_wait3A_85 = tpu.memref_slice %arg4[%arg1, %dma_wait3A, %dma_wait3A_84] : memref<8x784x256xf32, #tpu.memory_space<vmem_shared>> -> memref<1x784x256xf32, #tpu.memory_space<vmem_shared>>
      %dma_wait3A_86 = tpu.memref_squeeze %dma_wait3A_85 : memref<1x784x256xf32, #tpu.memory_space<vmem_shared>> -> memref<784x256xf32, #tpu.memory_space<vmem_shared>>
      %dma_wait3A_87 = arith.constant 0 : i32
      %dma_wait3A_88 = tpu.memref_slice %arg2[%arg1, %multiple_of3A_77, %dma_wait3A_87] : memref<8x4096x256xf32, #tpu.memory_space<hbm>> -> memref<1x784x256xf32, #tpu.memory_space<hbm>>
      %dma_wait3A_89 = tpu.memref_squeeze %dma_wait3A_88 : memref<1x784x256xf32, #tpu.memory_space<hbm>> -> memref<784x256xf32, #tpu.memory_space<hbm>>
      tpu.wait_dma2 semaphore(%arg5 : memref<!tpu.dma_semaphore, #tpu.memory_space<semaphore_mem>>) src(%dma_wait3A_89 : memref<784x256xf32, #tpu.memory_space<hbm>>) dst(%dma_wait3A_86 : memref<784x256xf32, #tpu.memory_space<vmem_shared>>)
    } else {
    }
    %barrier3A = arith.constant 0 : index
    tpu.barrier barrier_id(%barrier3A)
    %scan3A = arith.constant 0 : i32
    %scan3A_6 = arith.constant 0 : i32
    %scan3A_7 = arith.constant 32 : i32
    %scan3A_8 = arith.addi %scan3A_6, %scan3A_7 : i32
    %scan3A_9 = arith.constant 1 : i32
    scf.for %scan3A_75 = %scan3A_6 to %scan3A_8 step %scan3A_9  : i32 {
      %mul3A_76 = arith.constant 32 : i32
      %mul3A_77 = arith.muli %add3A, %mul3A_76 : i32
      %add3A_78 = arith.addi %mul3A_77, %scan3A_75 : i32
      %sub3A_79 = arith.constant 2046 : i32
      %sub3A_80 = arith.subi %sub3A_79, %add3A_78 : i32
      %rem3A = arith.constant 8 : i32
      %rem3A_81 = arith.remsi %sub3A_80, %rem3A : i32
      %sub3A_82 = arith.subi %sub3A_80, %rem3A_81 : i32
      %sub3A_83 = arith.subi %sub3A_82, %multiple_of3A : i32
      %multiple_of3A_84 = tpu.assume_multiple %sub3A_83, 8 : i32
      %dma_start3A = arith.constant 0 : i32
      %dma_start3A_85 = arith.constant 0 : i32
      %dma_start3A_86 = tpu.memref_slice %arg3[%add3A_78, %dma_start3A, %dma_start3A_85] : memref<1024x1024x256xf32, #tpu.memory_space<hbm>> -> memref<1x256x256xf32, #tpu.memory_space<hbm>>
      %dma_start3A_87 = tpu.memref_squeeze %dma_start3A_86 : memref<1x256x256xf32, #tpu.memory_space<hbm>> -> memref<256x256xf32, #tpu.memory_space<hbm>>
      %dma_start3A_88 = arith.constant 0 : i32
      %dma_start3A_89 = tpu.memref_slice %arg4[%rem3A_81, %multiple_of3A_84, %dma_start3A_88] : memref<8x784x256xf32, #tpu.memory_space<vmem_shared>> -> memref<1x256x256xf32, #tpu.memory_space<vmem_shared>>
      %dma_start3A_90 = tpu.memref_squeeze %dma_start3A_89 : memref<1x256x256xf32, #tpu.memory_space<vmem_shared>> -> memref<256x256xf32, #tpu.memory_space<vmem_shared>>
      tpu.enqueue_dma source(%dma_start3A_90 : memref<256x256xf32, #tpu.memory_space<vmem_shared>>) target(%dma_start3A_87 : memref<256x256xf32, #tpu.memory_space<hbm>>) target_semaphore(%arg6 : memref<!tpu.dma_semaphore, #tpu.memory_space<semaphore_mem>>)
    }
    %scan3A_10 = arith.constant 32 : i32
    %scan3A_11 = arith.constant 0 : i32
    %scan3A_12 = arith.constant 0 : i32
    %scan3A_13 = arith.constant 32 : i32
    %scan3A_14 = arith.addi %scan3A_12, %scan3A_13 : i32
    %scan3A_15 = arith.constant 1 : i32
    scf.for %scan3A_75 = %scan3A_12 to %scan3A_14 step %scan3A_15  : i32 {
      %dma_wait3A = arith.constant 0 : i32
      %dma_wait3A_76 = arith.constant 0 : i32
      %dma_wait3A_77 = arith.constant 0 : i32
      %dma_wait3A_78 = arith.constant 0 : i32
      %dma_wait3A_79 = tpu.memref_slice %arg3[%dma_wait3A_76, %dma_wait3A_77, %dma_wait3A_78] : memref<1024x1024x256xf32, #tpu.memory_space<hbm>> -> memref<1x256x256xf32, #tpu.memory_space<hbm>>
      %dma_wait3A_80 = tpu.memref_squeeze %dma_wait3A_79 : memref<1x256x256xf32, #tpu.memory_space<hbm>> -> memref<256x256xf32, #tpu.memory_space<hbm>>
      %dma_wait3A_81 = arith.constant 0 : i32
      %dma_wait3A_82 = arith.constant 0 : i32
      %dma_wait3A_83 = tpu.memref_slice %arg4[%dma_wait3A, %dma_wait3A_81, %dma_wait3A_82] : memref<8x784x256xf32, #tpu.memory_space<vmem_shared>> -> memref<1x256x256xf32, #tpu.memory_space<vmem_shared>>
      %dma_wait3A_84 = tpu.memref_squeeze %dma_wait3A_83 : memref<1x256x256xf32, #tpu.memory_space<vmem_shared>> -> memref<256x256xf32, #tpu.memory_space<vmem_shared>>
      tpu.wait_dma2 semaphore(%arg6 : memref<!tpu.dma_semaphore, #tpu.memory_space<semaphore_mem>>) src(%dma_wait3A_84 : memref<256x256xf32, #tpu.memory_space<vmem_shared>>) dst(%dma_wait3A_80 : memref<256x256xf32, #tpu.memory_space<hbm>>)
    }
    %scan3A_16 = arith.constant 32 : i32
    %barrier3A_17 = arith.constant 0 : index
    tpu.barrier barrier_id(%barrier3A_17)
    %lt3A_18 = arith.constant 8 : i32
    %lt3A_19 = arith.cmpi slt, %arg1, %lt3A_18 : i32
    %convert_element_type3A_20 = arith.extui %lt3A_19 : i1 to i32
    %cond3A_21 = arith.constant 0 : i32
    %cond3A_22 = arith.cmpi ne, %convert_element_type3A_20, %cond3A_21 : i32
    scf.if %cond3A_22 {
      %add3A_75 = arith.constant 256 : i32
      %add3A_76 = arith.addi %multiple_of3A, %add3A_75 : i32
      %multiple_of3A_77 = tpu.assume_multiple %add3A_76, 8 : i32
      %dma_start3A = arith.constant 0 : i32
      %dma_start3A_78 = arith.constant 0 : i32
      %dma_start3A_79 = tpu.memref_slice %arg4[%arg1, %dma_start3A, %dma_start3A_78] : memref<8x784x256xf32, #tpu.memory_space<vmem_shared>> -> memref<1x784x256xf32, #tpu.memory_space<vmem_shared>>
      %dma_start3A_80 = tpu.memref_squeeze %dma_start3A_79 : memref<1x784x256xf32, #tpu.memory_space<vmem_shared>> -> memref<784x256xf32, #tpu.memory_space<vmem_shared>>
      %dma_start3A_81 = arith.constant 0 : i32
      %dma_start3A_82 = tpu.memref_slice %arg2[%arg1, %multiple_of3A_77, %dma_start3A_81] : memref<8x4096x256xf32, #tpu.memory_space<hbm>> -> memref<1x784x256xf32, #tpu.memory_space<hbm>>
      %dma_start3A_83 = tpu.memref_squeeze %dma_start3A_82 : memref<1x784x256xf32, #tpu.memory_space<hbm>> -> memref<784x256xf32, #tpu.memory_space<hbm>>
      tpu.enqueue_dma source(%dma_start3A_83 : memref<784x256xf32, #tpu.memory_space<hbm>>) target(%dma_start3A_80 : memref<784x256xf32, #tpu.memory_space<vmem_shared>>) target_semaphore(%arg5 : memref<!tpu.dma_semaphore, #tpu.memory_space<semaphore_mem>>)
      %dma_wait3A = arith.constant 0 : i32
      %dma_wait3A_84 = arith.constant 0 : i32
      %dma_wait3A_85 = tpu.memref_slice %arg4[%arg1, %dma_wait3A, %dma_wait3A_84] : memref<8x784x256xf32, #tpu.memory_space<vmem_shared>> -> memref<1x784x256xf32, #tpu.memory_space<vmem_shared>>
      %dma_wait3A_86 = tpu.memref_squeeze %dma_wait3A_85 : memref<1x784x256xf32, #tpu.memory_space<vmem_shared>> -> memref<784x256xf32, #tpu.memory_space<vmem_shared>>
      %dma_wait3A_87 = arith.constant 0 : i32
      %dma_wait3A_88 = tpu.memref_slice %arg2[%arg1, %multiple_of3A_77, %dma_wait3A_87] : memref<8x4096x256xf32, #tpu.memory_space<hbm>> -> memref<1x784x256xf32, #tpu.memory_space<hbm>>
      %dma_wait3A_89 = tpu.memref_squeeze %dma_wait3A_88 : memref<1x784x256xf32, #tpu.memory_space<hbm>> -> memref<784x256xf32, #tpu.memory_space<hbm>>
      tpu.wait_dma2 semaphore(%arg5 : memref<!tpu.dma_semaphore, #tpu.memory_space<semaphore_mem>>) src(%dma_wait3A_89 : memref<784x256xf32, #tpu.memory_space<hbm>>) dst(%dma_wait3A_86 : memref<784x256xf32, #tpu.memory_space<vmem_shared>>)
    } else {
    }
    %barrier3A_23 = arith.constant 0 : index
    tpu.barrier barrier_id(%barrier3A_23)
    %scan3A_24 = arith.constant 0 : i32
    %scan3A_25 = arith.constant 0 : i32
    %scan3A_26 = arith.constant 32 : i32
    %scan3A_27 = arith.addi %scan3A_25, %scan3A_26 : i32
    %scan3A_28 = arith.constant 1 : i32
    scf.for %scan3A_75 = %scan3A_25 to %scan3A_27 step %scan3A_28  : i32 {
      %mul3A_76 = arith.constant 32 : i32
      %mul3A_77 = arith.muli %add3A, %mul3A_76 : i32
      %add3A_78 = arith.addi %mul3A_77, %scan3A_75 : i32
      %sub3A_79 = arith.constant 2046 : i32
      %sub3A_80 = arith.subi %sub3A_79, %add3A_78 : i32
      %rem3A = arith.constant 8 : i32
      %rem3A_81 = arith.remsi %sub3A_80, %rem3A : i32
      %sub3A_82 = arith.subi %sub3A_80, %rem3A_81 : i32
      %sub3A_83 = arith.subi %sub3A_82, %multiple_of3A : i32
      %multiple_of3A_84 = tpu.assume_multiple %sub3A_83, 8 : i32
      %dma_start3A = arith.constant 256 : i32
      %dma_start3A_85 = arith.constant 0 : i32
      %dma_start3A_86 = tpu.memref_slice %arg3[%add3A_78, %dma_start3A, %dma_start3A_85] : memref<1024x1024x256xf32, #tpu.memory_space<hbm>> -> memref<1x256x256xf32, #tpu.memory_space<hbm>>
      %dma_start3A_87 = tpu.memref_squeeze %dma_start3A_86 : memref<1x256x256xf32, #tpu.memory_space<hbm>> -> memref<256x256xf32, #tpu.memory_space<hbm>>
      %dma_start3A_88 = arith.constant 0 : i32
      %dma_start3A_89 = tpu.memref_slice %arg4[%rem3A_81, %multiple_of3A_84, %dma_start3A_88] : memref<8x784x256xf32, #tpu.memory_space<vmem_shared>> -> memref<1x256x256xf32, #tpu.memory_space<vmem_shared>>
      %dma_start3A_90 = tpu.memref_squeeze %dma_start3A_89 : memref<1x256x256xf32, #tpu.memory_space<vmem_shared>> -> memref<256x256xf32, #tpu.memory_space<vmem_shared>>
      tpu.enqueue_dma source(%dma_start3A_90 : memref<256x256xf32, #tpu.memory_space<vmem_shared>>) target(%dma_start3A_87 : memref<256x256xf32, #tpu.memory_space<hbm>>) target_semaphore(%arg6 : memref<!tpu.dma_semaphore, #tpu.memory_space<semaphore_mem>>)
    }
    %scan3A_29 = arith.constant 32 : i32
    %scan3A_30 = arith.constant 0 : i32
    %scan3A_31 = arith.constant 0 : i32
    %scan3A_32 = arith.constant 32 : i32
    %scan3A_33 = arith.addi %scan3A_31, %scan3A_32 : i32
    %scan3A_34 = arith.constant 1 : i32
    scf.for %scan3A_75 = %scan3A_31 to %scan3A_33 step %scan3A_34  : i32 {
      %dma_wait3A = arith.constant 0 : i32
      %dma_wait3A_76 = arith.constant 0 : i32
      %dma_wait3A_77 = arith.constant 0 : i32
      %dma_wait3A_78 = arith.constant 0 : i32
      %dma_wait3A_79 = tpu.memref_slice %arg3[%dma_wait3A_76, %dma_wait3A_77, %dma_wait3A_78] : memref<1024x1024x256xf32, #tpu.memory_space<hbm>> -> memref<1x256x256xf32, #tpu.memory_space<hbm>>
      %dma_wait3A_80 = tpu.memref_squeeze %dma_wait3A_79 : memref<1x256x256xf32, #tpu.memory_space<hbm>> -> memref<256x256xf32, #tpu.memory_space<hbm>>
      %dma_wait3A_81 = arith.constant 0 : i32
      %dma_wait3A_82 = arith.constant 0 : i32
      %dma_wait3A_83 = tpu.memref_slice %arg4[%dma_wait3A, %dma_wait3A_81, %dma_wait3A_82] : memref<8x784x256xf32, #tpu.memory_space<vmem_shared>> -> memref<1x256x256xf32, #tpu.memory_space<vmem_shared>>
      %dma_wait3A_84 = tpu.memref_squeeze %dma_wait3A_83 : memref<1x256x256xf32, #tpu.memory_space<vmem_shared>> -> memref<256x256xf32, #tpu.memory_space<vmem_shared>>
      tpu.wait_dma2 semaphore(%arg6 : memref<!tpu.dma_semaphore, #tpu.memory_space<semaphore_mem>>) src(%dma_wait3A_84 : memref<256x256xf32, #tpu.memory_space<vmem_shared>>) dst(%dma_wait3A_80 : memref<256x256xf32, #tpu.memory_space<hbm>>)
    }
    %scan3A_35 = arith.constant 32 : i32
    %barrier3A_36 = arith.constant 0 : index
    tpu.barrier barrier_id(%barrier3A_36)
    %lt3A_37 = arith.constant 8 : i32
    %lt3A_38 = arith.cmpi slt, %arg1, %lt3A_37 : i32
    %convert_element_type3A_39 = arith.extui %lt3A_38 : i1 to i32
    %cond3A_40 = arith.constant 0 : i32
    %cond3A_41 = arith.cmpi ne, %convert_element_type3A_39, %cond3A_40 : i32
    scf.if %cond3A_41 {
      %add3A_75 = arith.constant 512 : i32
      %add3A_76 = arith.addi %multiple_of3A, %add3A_75 : i32
      %multiple_of3A_77 = tpu.assume_multiple %add3A_76, 8 : i32
      %dma_start3A = arith.constant 0 : i32
      %dma_start3A_78 = arith.constant 0 : i32
      %dma_start3A_79 = tpu.memref_slice %arg4[%arg1, %dma_start3A, %dma_start3A_78] : memref<8x784x256xf32, #tpu.memory_space<vmem_shared>> -> memref<1x784x256xf32, #tpu.memory_space<vmem_shared>>
      %dma_start3A_80 = tpu.memref_squeeze %dma_start3A_79 : memref<1x784x256xf32, #tpu.memory_space<vmem_shared>> -> memref<784x256xf32, #tpu.memory_space<vmem_shared>>
      %dma_start3A_81 = arith.constant 0 : i32
      %dma_start3A_82 = tpu.memref_slice %arg2[%arg1, %multiple_of3A_77, %dma_start3A_81] : memref<8x4096x256xf32, #tpu.memory_space<hbm>> -> memref<1x784x256xf32, #tpu.memory_space<hbm>>
      %dma_start3A_83 = tpu.memref_squeeze %dma_start3A_82 : memref<1x784x256xf32, #tpu.memory_space<hbm>> -> memref<784x256xf32, #tpu.memory_space<hbm>>
      tpu.enqueue_dma source(%dma_start3A_83 : memref<784x256xf32, #tpu.memory_space<hbm>>) target(%dma_start3A_80 : memref<784x256xf32, #tpu.memory_space<vmem_shared>>) target_semaphore(%arg5 : memref<!tpu.dma_semaphore, #tpu.memory_space<semaphore_mem>>)
      %dma_wait3A = arith.constant 0 : i32
      %dma_wait3A_84 = arith.constant 0 : i32
      %dma_wait3A_85 = tpu.memref_slice %arg4[%arg1, %dma_wait3A, %dma_wait3A_84] : memref<8x784x256xf32, #tpu.memory_space<vmem_shared>> -> memref<1x784x256xf32, #tpu.memory_space<vmem_shared>>
      %dma_wait3A_86 = tpu.memref_squeeze %dma_wait3A_85 : memref<1x784x256xf32, #tpu.memory_space<vmem_shared>> -> memref<784x256xf32, #tpu.memory_space<vmem_shared>>
      %dma_wait3A_87 = arith.constant 0 : i32
      %dma_wait3A_88 = tpu.memref_slice %arg2[%arg1, %multiple_of3A_77, %dma_wait3A_87] : memref<8x4096x256xf32, #tpu.memory_space<hbm>> -> memref<1x784x256xf32, #tpu.memory_space<hbm>>
      %dma_wait3A_89 = tpu.memref_squeeze %dma_wait3A_88 : memref<1x784x256xf32, #tpu.memory_space<hbm>> -> memref<784x256xf32, #tpu.memory_space<hbm>>
      tpu.wait_dma2 semaphore(%arg5 : memref<!tpu.dma_semaphore, #tpu.memory_space<semaphore_mem>>) src(%dma_wait3A_89 : memref<784x256xf32, #tpu.memory_space<hbm>>) dst(%dma_wait3A_86 : memref<784x256xf32, #tpu.memory_space<vmem_shared>>)
    } else {
    }
    %barrier3A_42 = arith.constant 0 : index
    tpu.barrier barrier_id(%barrier3A_42)
    %scan3A_43 = arith.constant 0 : i32
    %scan3A_44 = arith.constant 0 : i32
    %scan3A_45 = arith.constant 32 : i32
    %scan3A_46 = arith.addi %scan3A_44, %scan3A_45 : i32
    %scan3A_47 = arith.constant 1 : i32
    scf.for %scan3A_75 = %scan3A_44 to %scan3A_46 step %scan3A_47  : i32 {
      %mul3A_76 = arith.constant 32 : i32
      %mul3A_77 = arith.muli %add3A, %mul3A_76 : i32
      %add3A_78 = arith.addi %mul3A_77, %scan3A_75 : i32
      %sub3A_79 = arith.constant 2046 : i32
      %sub3A_80 = arith.subi %sub3A_79, %add3A_78 : i32
      %rem3A = arith.constant 8 : i32
      %rem3A_81 = arith.remsi %sub3A_80, %rem3A : i32
      %sub3A_82 = arith.subi %sub3A_80, %rem3A_81 : i32
      %sub3A_83 = arith.subi %sub3A_82, %multiple_of3A : i32
      %multiple_of3A_84 = tpu.assume_multiple %sub3A_83, 8 : i32
      %dma_start3A = arith.constant 512 : i32
      %dma_start3A_85 = arith.constant 0 : i32
      %dma_start3A_86 = tpu.memref_slice %arg3[%add3A_78, %dma_start3A, %dma_start3A_85] : memref<1024x1024x256xf32, #tpu.memory_space<hbm>> -> memref<1x256x256xf32, #tpu.memory_space<hbm>>
      %dma_start3A_87 = tpu.memref_squeeze %dma_start3A_86 : memref<1x256x256xf32, #tpu.memory_space<hbm>> -> memref<256x256xf32, #tpu.memory_space<hbm>>
      %dma_start3A_88 = arith.constant 0 : i32
      %dma_start3A_89 = tpu.memref_slice %arg4[%rem3A_81, %multiple_of3A_84, %dma_start3A_88] : memref<8x784x256xf32, #tpu.memory_space<vmem_shared>> -> memref<1x256x256xf32, #tpu.memory_space<vmem_shared>>
      %dma_start3A_90 = tpu.memref_squeeze %dma_start3A_89 : memref<1x256x256xf32, #tpu.memory_space<vmem_shared>> -> memref<256x256xf32, #tpu.memory_space<vmem_shared>>
      tpu.enqueue_dma source(%dma_start3A_90 : memref<256x256xf32, #tpu.memory_space<vmem_shared>>) target(%dma_start3A_87 : memref<256x256xf32, #tpu.memory_space<hbm>>) target_semaphore(%arg6 : memref<!tpu.dma_semaphore, #tpu.memory_space<semaphore_mem>>)
    }
    %scan3A_48 = arith.constant 32 : i32
    %scan3A_49 = arith.constant 0 : i32
    %scan3A_50 = arith.constant 0 : i32
    %scan3A_51 = arith.constant 32 : i32
    %scan3A_52 = arith.addi %scan3A_50, %scan3A_51 : i32
    %scan3A_53 = arith.constant 1 : i32
    scf.for %scan3A_75 = %scan3A_50 to %scan3A_52 step %scan3A_53  : i32 {
      %dma_wait3A = arith.constant 0 : i32
      %dma_wait3A_76 = arith.constant 0 : i32
      %dma_wait3A_77 = arith.constant 0 : i32
      %dma_wait3A_78 = arith.constant 0 : i32
      %dma_wait3A_79 = tpu.memref_slice %arg3[%dma_wait3A_76, %dma_wait3A_77, %dma_wait3A_78] : memref<1024x1024x256xf32, #tpu.memory_space<hbm>> -> memref<1x256x256xf32, #tpu.memory_space<hbm>>
      %dma_wait3A_80 = tpu.memref_squeeze %dma_wait3A_79 : memref<1x256x256xf32, #tpu.memory_space<hbm>> -> memref<256x256xf32, #tpu.memory_space<hbm>>
      %dma_wait3A_81 = arith.constant 0 : i32
      %dma_wait3A_82 = arith.constant 0 : i32
      %dma_wait3A_83 = tpu.memref_slice %arg4[%dma_wait3A, %dma_wait3A_81, %dma_wait3A_82] : memref<8x784x256xf32, #tpu.memory_space<vmem_shared>> -> memref<1x256x256xf32, #tpu.memory_space<vmem_shared>>
      %dma_wait3A_84 = tpu.memref_squeeze %dma_wait3A_83 : memref<1x256x256xf32, #tpu.memory_space<vmem_shared>> -> memref<256x256xf32, #tpu.memory_space<vmem_shared>>
      tpu.wait_dma2 semaphore(%arg6 : memref<!tpu.dma_semaphore, #tpu.memory_space<semaphore_mem>>) src(%dma_wait3A_84 : memref<256x256xf32, #tpu.memory_space<vmem_shared>>) dst(%dma_wait3A_80 : memref<256x256xf32, #tpu.memory_space<hbm>>)
    }
    %scan3A_54 = arith.constant 32 : i32
    %barrier3A_55 = arith.constant 0 : index
    tpu.barrier barrier_id(%barrier3A_55)
    %lt3A_56 = arith.constant 8 : i32
    %lt3A_57 = arith.cmpi slt, %arg1, %lt3A_56 : i32
    %convert_element_type3A_58 = arith.extui %lt3A_57 : i1 to i32
    %cond3A_59 = arith.constant 0 : i32
    %cond3A_60 = arith.cmpi ne, %convert_element_type3A_58, %cond3A_59 : i32
    scf.if %cond3A_60 {
      %add3A_75 = arith.constant 768 : i32
      %add3A_76 = arith.addi %multiple_of3A, %add3A_75 : i32
      %multiple_of3A_77 = tpu.assume_multiple %add3A_76, 8 : i32
      %dma_start3A = arith.constant 0 : i32
      %dma_start3A_78 = arith.constant 0 : i32
      %dma_start3A_79 = tpu.memref_slice %arg4[%arg1, %dma_start3A, %dma_start3A_78] : memref<8x784x256xf32, #tpu.memory_space<vmem_shared>> -> memref<1x784x256xf32, #tpu.memory_space<vmem_shared>>
      %dma_start3A_80 = tpu.memref_squeeze %dma_start3A_79 : memref<1x784x256xf32, #tpu.memory_space<vmem_shared>> -> memref<784x256xf32, #tpu.memory_space<vmem_shared>>
      %dma_start3A_81 = arith.constant 0 : i32
      %dma_start3A_82 = tpu.memref_slice %arg2[%arg1, %multiple_of3A_77, %dma_start3A_81] : memref<8x4096x256xf32, #tpu.memory_space<hbm>> -> memref<1x784x256xf32, #tpu.memory_space<hbm>>
      %dma_start3A_83 = tpu.memref_squeeze %dma_start3A_82 : memref<1x784x256xf32, #tpu.memory_space<hbm>> -> memref<784x256xf32, #tpu.memory_space<hbm>>
      tpu.enqueue_dma source(%dma_start3A_83 : memref<784x256xf32, #tpu.memory_space<hbm>>) target(%dma_start3A_80 : memref<784x256xf32, #tpu.memory_space<vmem_shared>>) target_semaphore(%arg5 : memref<!tpu.dma_semaphore, #tpu.memory_space<semaphore_mem>>)
      %dma_wait3A = arith.constant 0 : i32
      %dma_wait3A_84 = arith.constant 0 : i32
      %dma_wait3A_85 = tpu.memref_slice %arg4[%arg1, %dma_wait3A, %dma_wait3A_84] : memref<8x784x256xf32, #tpu.memory_space<vmem_shared>> -> memref<1x784x256xf32, #tpu.memory_space<vmem_shared>>
      %dma_wait3A_86 = tpu.memref_squeeze %dma_wait3A_85 : memref<1x784x256xf32, #tpu.memory_space<vmem_shared>> -> memref<784x256xf32, #tpu.memory_space<vmem_shared>>
      %dma_wait3A_87 = arith.constant 0 : i32
      %dma_wait3A_88 = tpu.memref_slice %arg2[%arg1, %multiple_of3A_77, %dma_wait3A_87] : memref<8x4096x256xf32, #tpu.memory_space<hbm>> -> memref<1x784x256xf32, #tpu.memory_space<hbm>>
      %dma_wait3A_89 = tpu.memref_squeeze %dma_wait3A_88 : memref<1x784x256xf32, #tpu.memory_space<hbm>> -> memref<784x256xf32, #tpu.memory_space<hbm>>
      tpu.wait_dma2 semaphore(%arg5 : memref<!tpu.dma_semaphore, #tpu.memory_space<semaphore_mem>>) src(%dma_wait3A_89 : memref<784x256xf32, #tpu.memory_space<hbm>>) dst(%dma_wait3A_86 : memref<784x256xf32, #tpu.memory_space<vmem_shared>>)
    } else {
    }
    %barrier3A_61 = arith.constant 0 : index
    tpu.barrier barrier_id(%barrier3A_61)
    %scan3A_62 = arith.constant 0 : i32
    %scan3A_63 = arith.constant 0 : i32
    %scan3A_64 = arith.constant 32 : i32
    %scan3A_65 = arith.addi %scan3A_63, %scan3A_64 : i32
    %scan3A_66 = arith.constant 1 : i32
    scf.for %scan3A_75 = %scan3A_63 to %scan3A_65 step %scan3A_66  : i32 {
      %mul3A_76 = arith.constant 32 : i32
      %mul3A_77 = arith.muli %add3A, %mul3A_76 : i32
      %add3A_78 = arith.addi %mul3A_77, %scan3A_75 : i32
      %sub3A_79 = arith.constant 2046 : i32
      %sub3A_80 = arith.subi %sub3A_79, %add3A_78 : i32
      %rem3A = arith.constant 8 : i32
      %rem3A_81 = arith.remsi %sub3A_80, %rem3A : i32
      %sub3A_82 = arith.subi %sub3A_80, %rem3A_81 : i32
      %sub3A_83 = arith.subi %sub3A_82, %multiple_of3A : i32
      %multiple_of3A_84 = tpu.assume_multiple %sub3A_83, 8 : i32
      %dma_start3A = arith.constant 768 : i32
      %dma_start3A_85 = arith.constant 0 : i32
      %dma_start3A_86 = tpu.memref_slice %arg3[%add3A_78, %dma_start3A, %dma_start3A_85] : memref<1024x1024x256xf32, #tpu.memory_space<hbm>> -> memref<1x256x256xf32, #tpu.memory_space<hbm>>
      %dma_start3A_87 = tpu.memref_squeeze %dma_start3A_86 : memref<1x256x256xf32, #tpu.memory_space<hbm>> -> memref<256x256xf32, #tpu.memory_space<hbm>>
      %dma_start3A_88 = arith.constant 0 : i32
      %dma_start3A_89 = tpu.memref_slice %arg4[%rem3A_81, %multiple_of3A_84, %dma_start3A_88] : memref<8x784x256xf32, #tpu.memory_space<vmem_shared>> -> memref<1x256x256xf32, #tpu.memory_space<vmem_shared>>
      %dma_start3A_90 = tpu.memref_squeeze %dma_start3A_89 : memref<1x256x256xf32, #tpu.memory_space<vmem_shared>> -> memref<256x256xf32, #tpu.memory_space<vmem_shared>>
      tpu.enqueue_dma source(%dma_start3A_90 : memref<256x256xf32, #tpu.memory_space<vmem_shared>>) target(%dma_start3A_87 : memref<256x256xf32, #tpu.memory_space<hbm>>) target_semaphore(%arg6 : memref<!tpu.dma_semaphore, #tpu.memory_space<semaphore_mem>>)
    }
    %scan3A_67 = arith.constant 32 : i32
    %scan3A_68 = arith.constant 0 : i32
    %scan3A_69 = arith.constant 0 : i32
    %scan3A_70 = arith.constant 32 : i32
    %scan3A_71 = arith.addi %scan3A_69, %scan3A_70 : i32
    %scan3A_72 = arith.constant 1 : i32
    scf.for %scan3A_75 = %scan3A_69 to %scan3A_71 step %scan3A_72  : i32 {
      %dma_wait3A = arith.constant 0 : i32
      %dma_wait3A_76 = arith.constant 0 : i32
      %dma_wait3A_77 = arith.constant 0 : i32
      %dma_wait3A_78 = arith.constant 0 : i32
      %dma_wait3A_79 = tpu.memref_slice %arg3[%dma_wait3A_76, %dma_wait3A_77, %dma_wait3A_78] : memref<1024x1024x256xf32, #tpu.memory_space<hbm>> -> memref<1x256x256xf32, #tpu.memory_space<hbm>>
      %dma_wait3A_80 = tpu.memref_squeeze %dma_wait3A_79 : memref<1x256x256xf32, #tpu.memory_space<hbm>> -> memref<256x256xf32, #tpu.memory_space<hbm>>
      %dma_wait3A_81 = arith.constant 0 : i32
      %dma_wait3A_82 = arith.constant 0 : i32
      %dma_wait3A_83 = tpu.memref_slice %arg4[%dma_wait3A, %dma_wait3A_81, %dma_wait3A_82] : memref<8x784x256xf32, #tpu.memory_space<vmem_shared>> -> memref<1x256x256xf32, #tpu.memory_space<vmem_shared>>
      %dma_wait3A_84 = tpu.memref_squeeze %dma_wait3A_83 : memref<1x256x256xf32, #tpu.memory_space<vmem_shared>> -> memref<256x256xf32, #tpu.memory_space<vmem_shared>>
      tpu.wait_dma2 semaphore(%arg6 : memref<!tpu.dma_semaphore, #tpu.memory_space<semaphore_mem>>) src(%dma_wait3A_84 : memref<256x256xf32, #tpu.memory_space<vmem_shared>>) dst(%dma_wait3A_80 : memref<256x256xf32, #tpu.memory_space<hbm>>)
    }
    %scan3A_73 = arith.constant 32 : i32
    %barrier3A_74 = arith.constant 0 : index
    tpu.barrier barrier_id(%barrier3A_74)
    return
  }
}

module attributes {stable_mosaic.version = 14 : i64} {
  func.func @_build_body(%arg0: i32, %arg1: memref<1xi32, #tpu.memory_space<smem>>, %arg2: memref<9x256xf32, #tpu.memory_space<vmem>>, %arg3: memref<1x4096x256xf32, #tpu.memory_space<vmem>>) attributes {dimension_semantics = [#tpu.dimension_semantics<arbitrary>], iteration_bounds = array<i64: 8>, scalar_prefetch = 0 : i64, scratch_operands = 0 : i64, tpu.core_type = #tpu.core_type<tc>, window_params = [{transform_indices = @transform_0, window_bounds = array<i64: 1>}, {pipeline_mode = #tpu.pipeline_mode<synchronous>, transform_indices = @transform_1, window_bounds = array<i64: 9, 256>}, {transform_indices = @transform_2, window_bounds = array<i64: 1, 4096, 256>}]} {
    %iota3A = tpu.iota {dimensions = array<i32: 0>} : vector<4096x256xi32>
    %add3A = vector.broadcast %arg0 : i32 to vector<4096x256xi32>
    %add3A_0 = arith.addi %iota3A, %add3A : vector<4096x256xi32>
    %sub3A = arith.constant 2046 : i32
    %sub3A_1 = vector.broadcast %sub3A : i32 to vector<4096x256xi32>
    %sub3A_2 = arith.subi %add3A_0, %sub3A_1 : vector<4096x256xi32>
    %get3A = arith.constant 0 : index
    %get3A_3 = memref.load %arg1[%get3A] : memref<1xi32, #tpu.memory_space<smem>>
    %add3A_4 = vector.broadcast %get3A_3 : i32 to vector<4096x256xi32>
    %add3A_5 = arith.addi %sub3A_2, %add3A_4 : vector<4096x256xi32>
    %jit3A = arith.constant -4 : i32
    %jit3A_6 = arith.constant 4 : i32
    %max3A = vector.broadcast %jit3A : i32 to vector<4096x256xi32>
    %max3A_7 = arith.maxsi %max3A, %add3A_5 : vector<4096x256xi32>
    %min3A = vector.broadcast %jit3A_6 : i32 to vector<4096x256xi32>
    %min3A_8 = arith.minsi %min3A, %max3A_7 : vector<4096x256xi32>
    %add3A_9 = arith.constant 4 : i32
    %add3A_10 = vector.broadcast %add3A_9 : i32 to vector<4096x256xi32>
    %add3A_11 = arith.addi %min3A_8, %add3A_10 : vector<4096x256xi32>
    %broadcast_in_dim3A = arith.constant 0.000000e+00 : f32
    %broadcast_in_dim3A_12 = vector.broadcast %broadcast_in_dim3A : f32 to vector<4096x256xf32>
    %eq3A = arith.constant 0 : i32
    %eq3A_13 = vector.broadcast %eq3A : i32 to vector<4096x256xi32>
    %eq3A_14 = arith.cmpi eq, %add3A_11, %eq3A_13 : vector<4096x256xi32>
    %get3A_15 = arith.constant 0 : index
    %get3A_16 = arith.constant 0 : index
    %get3A_17 = vector.load %arg2[%get3A_15, %get3A_16] : memref<9x256xf32, #tpu.memory_space<vmem>>, vector<1x256xf32>
    %get3A_18 = vector.shape_cast %get3A_17 : vector<1x256xf32> to vector<256xf32>
    %broadcast_in_dim3A_19 = vector.shape_cast %get3A_18 : vector<256xf32> to vector<1x256xf32>
    %broadcast_in_dim3A_20 = vector.shape_cast %broadcast_in_dim3A_19 : vector<1x256xf32> to vector<1x256xf32>
    %broadcast_in_dim3A_21 = vector.broadcast %broadcast_in_dim3A_20 : vector<1x256xf32> to vector<4096x256xf32>
    %select_n3A = arith.select %eq3A_14, %broadcast_in_dim3A_21, %broadcast_in_dim3A_12 : vector<4096x256xi1>, vector<4096x256xf32>
    %eq3A_22 = arith.constant 1 : i32
    %eq3A_23 = vector.broadcast %eq3A_22 : i32 to vector<4096x256xi32>
    %eq3A_24 = arith.cmpi eq, %add3A_11, %eq3A_23 : vector<4096x256xi32>
    %get3A_25 = arith.constant 1 : index
    %get3A_26 = arith.constant 0 : index
    %get3A_27 = vector.load %arg2[%get3A_25, %get3A_26] : memref<9x256xf32, #tpu.memory_space<vmem>>, vector<1x256xf32>
    %get3A_28 = vector.shape_cast %get3A_27 : vector<1x256xf32> to vector<256xf32>
    %broadcast_in_dim3A_29 = vector.shape_cast %get3A_28 : vector<256xf32> to vector<1x256xf32>
    %broadcast_in_dim3A_30 = vector.shape_cast %broadcast_in_dim3A_29 : vector<1x256xf32> to vector<1x256xf32>
    %broadcast_in_dim3A_31 = vector.broadcast %broadcast_in_dim3A_30 : vector<1x256xf32> to vector<4096x256xf32>
    %select_n3A_32 = arith.select %eq3A_24, %broadcast_in_dim3A_31, %select_n3A : vector<4096x256xi1>, vector<4096x256xf32>
    %eq3A_33 = arith.constant 2 : i32
    %eq3A_34 = vector.broadcast %eq3A_33 : i32 to vector<4096x256xi32>
    %eq3A_35 = arith.cmpi eq, %add3A_11, %eq3A_34 : vector<4096x256xi32>
    %get3A_36 = arith.constant 2 : index
    %get3A_37 = arith.constant 0 : index
    %get3A_38 = vector.load %arg2[%get3A_36, %get3A_37] : memref<9x256xf32, #tpu.memory_space<vmem>>, vector<1x256xf32>
    %get3A_39 = vector.shape_cast %get3A_38 : vector<1x256xf32> to vector<256xf32>
    %broadcast_in_dim3A_40 = vector.shape_cast %get3A_39 : vector<256xf32> to vector<1x256xf32>
    %broadcast_in_dim3A_41 = vector.shape_cast %broadcast_in_dim3A_40 : vector<1x256xf32> to vector<1x256xf32>
    %broadcast_in_dim3A_42 = vector.broadcast %broadcast_in_dim3A_41 : vector<1x256xf32> to vector<4096x256xf32>
    %select_n3A_43 = arith.select %eq3A_35, %broadcast_in_dim3A_42, %select_n3A_32 : vector<4096x256xi1>, vector<4096x256xf32>
    %eq3A_44 = arith.constant 3 : i32
    %eq3A_45 = vector.broadcast %eq3A_44 : i32 to vector<4096x256xi32>
    %eq3A_46 = arith.cmpi eq, %add3A_11, %eq3A_45 : vector<4096x256xi32>
    %get3A_47 = arith.constant 3 : index
    %get3A_48 = arith.constant 0 : index
    %get3A_49 = vector.load %arg2[%get3A_47, %get3A_48] : memref<9x256xf32, #tpu.memory_space<vmem>>, vector<1x256xf32>
    %get3A_50 = vector.shape_cast %get3A_49 : vector<1x256xf32> to vector<256xf32>
    %broadcast_in_dim3A_51 = vector.shape_cast %get3A_50 : vector<256xf32> to vector<1x256xf32>
    %broadcast_in_dim3A_52 = vector.shape_cast %broadcast_in_dim3A_51 : vector<1x256xf32> to vector<1x256xf32>
    %broadcast_in_dim3A_53 = vector.broadcast %broadcast_in_dim3A_52 : vector<1x256xf32> to vector<4096x256xf32>
    %select_n3A_54 = arith.select %eq3A_46, %broadcast_in_dim3A_53, %select_n3A_43 : vector<4096x256xi1>, vector<4096x256xf32>
    %eq3A_55 = arith.constant 4 : i32
    %eq3A_56 = vector.broadcast %eq3A_55 : i32 to vector<4096x256xi32>
    %eq3A_57 = arith.cmpi eq, %add3A_11, %eq3A_56 : vector<4096x256xi32>
    %get3A_58 = arith.constant 4 : index
    %get3A_59 = arith.constant 0 : index
    %get3A_60 = vector.load %arg2[%get3A_58, %get3A_59] : memref<9x256xf32, #tpu.memory_space<vmem>>, vector<1x256xf32>
    %get3A_61 = vector.shape_cast %get3A_60 : vector<1x256xf32> to vector<256xf32>
    %broadcast_in_dim3A_62 = vector.shape_cast %get3A_61 : vector<256xf32> to vector<1x256xf32>
    %broadcast_in_dim3A_63 = vector.shape_cast %broadcast_in_dim3A_62 : vector<1x256xf32> to vector<1x256xf32>
    %broadcast_in_dim3A_64 = vector.broadcast %broadcast_in_dim3A_63 : vector<1x256xf32> to vector<4096x256xf32>
    %select_n3A_65 = arith.select %eq3A_57, %broadcast_in_dim3A_64, %select_n3A_54 : vector<4096x256xi1>, vector<4096x256xf32>
    %eq3A_66 = arith.constant 5 : i32
    %eq3A_67 = vector.broadcast %eq3A_66 : i32 to vector<4096x256xi32>
    %eq3A_68 = arith.cmpi eq, %add3A_11, %eq3A_67 : vector<4096x256xi32>
    %get3A_69 = arith.constant 5 : index
    %get3A_70 = arith.constant 0 : index
    %get3A_71 = vector.load %arg2[%get3A_69, %get3A_70] : memref<9x256xf32, #tpu.memory_space<vmem>>, vector<1x256xf32>
    %get3A_72 = vector.shape_cast %get3A_71 : vector<1x256xf32> to vector<256xf32>
    %broadcast_in_dim3A_73 = vector.shape_cast %get3A_72 : vector<256xf32> to vector<1x256xf32>
    %broadcast_in_dim3A_74 = vector.shape_cast %broadcast_in_dim3A_73 : vector<1x256xf32> to vector<1x256xf32>
    %broadcast_in_dim3A_75 = vector.broadcast %broadcast_in_dim3A_74 : vector<1x256xf32> to vector<4096x256xf32>
    %select_n3A_76 = arith.select %eq3A_68, %broadcast_in_dim3A_75, %select_n3A_65 : vector<4096x256xi1>, vector<4096x256xf32>
    %eq3A_77 = arith.constant 6 : i32
    %eq3A_78 = vector.broadcast %eq3A_77 : i32 to vector<4096x256xi32>
    %eq3A_79 = arith.cmpi eq, %add3A_11, %eq3A_78 : vector<4096x256xi32>
    %get3A_80 = arith.constant 6 : index
    %get3A_81 = arith.constant 0 : index
    %get3A_82 = vector.load %arg2[%get3A_80, %get3A_81] : memref<9x256xf32, #tpu.memory_space<vmem>>, vector<1x256xf32>
    %get3A_83 = vector.shape_cast %get3A_82 : vector<1x256xf32> to vector<256xf32>
    %broadcast_in_dim3A_84 = vector.shape_cast %get3A_83 : vector<256xf32> to vector<1x256xf32>
    %broadcast_in_dim3A_85 = vector.shape_cast %broadcast_in_dim3A_84 : vector<1x256xf32> to vector<1x256xf32>
    %broadcast_in_dim3A_86 = vector.broadcast %broadcast_in_dim3A_85 : vector<1x256xf32> to vector<4096x256xf32>
    %select_n3A_87 = arith.select %eq3A_79, %broadcast_in_dim3A_86, %select_n3A_76 : vector<4096x256xi1>, vector<4096x256xf32>
    %eq3A_88 = arith.constant 7 : i32
    %eq3A_89 = vector.broadcast %eq3A_88 : i32 to vector<4096x256xi32>
    %eq3A_90 = arith.cmpi eq, %add3A_11, %eq3A_89 : vector<4096x256xi32>
    %get3A_91 = arith.constant 7 : index
    %get3A_92 = arith.constant 0 : index
    %get3A_93 = vector.load %arg2[%get3A_91, %get3A_92] : memref<9x256xf32, #tpu.memory_space<vmem>>, vector<1x256xf32>
    %get3A_94 = vector.shape_cast %get3A_93 : vector<1x256xf32> to vector<256xf32>
    %broadcast_in_dim3A_95 = vector.shape_cast %get3A_94 : vector<256xf32> to vector<1x256xf32>
    %broadcast_in_dim3A_96 = vector.shape_cast %broadcast_in_dim3A_95 : vector<1x256xf32> to vector<1x256xf32>
    %broadcast_in_dim3A_97 = vector.broadcast %broadcast_in_dim3A_96 : vector<1x256xf32> to vector<4096x256xf32>
    %select_n3A_98 = arith.select %eq3A_90, %broadcast_in_dim3A_97, %select_n3A_87 : vector<4096x256xi1>, vector<4096x256xf32>
    %eq3A_99 = arith.constant 8 : i32
    %eq3A_100 = vector.broadcast %eq3A_99 : i32 to vector<4096x256xi32>
    %eq3A_101 = arith.cmpi eq, %add3A_11, %eq3A_100 : vector<4096x256xi32>
    %get3A_102 = arith.constant 8 : index
    %get3A_103 = arith.constant 0 : index
    %get3A_104 = vector.load %arg2[%get3A_102, %get3A_103] : memref<9x256xf32, #tpu.memory_space<vmem>>, vector<1x256xf32>
    %get3A_105 = vector.shape_cast %get3A_104 : vector<1x256xf32> to vector<256xf32>
    %broadcast_in_dim3A_106 = vector.shape_cast %get3A_105 : vector<256xf32> to vector<1x256xf32>
    %broadcast_in_dim3A_107 = vector.shape_cast %broadcast_in_dim3A_106 : vector<1x256xf32> to vector<1x256xf32>
    %broadcast_in_dim3A_108 = vector.broadcast %broadcast_in_dim3A_107 : vector<1x256xf32> to vector<4096x256xf32>
    %select_n3A_109 = arith.select %eq3A_101, %broadcast_in_dim3A_108, %select_n3A_98 : vector<4096x256xi1>, vector<4096x256xf32>
    %swap3A = arith.constant 0 : index
    %swap3A_110 = arith.constant 0 : index
    %swap3A_111 = arith.constant 0 : index
    %swap3A_112 = vector.load %arg3[%swap3A, %swap3A_110, %swap3A_111] : memref<1x4096x256xf32, #tpu.memory_space<vmem>>, vector<1x4096x256xf32>
    %swap3A_113 = vector.shape_cast %swap3A_112 : vector<1x4096x256xf32> to vector<4096x256xf32>
    %swap3A_114 = vector.shape_cast %select_n3A_109 : vector<4096x256xf32> to vector<1x4096x256xf32>
    tpu.vector_store %arg3[%swap3A, %swap3A_110, %swap3A_111], %swap3A_114 {strides = array<i32>} : memref<1x4096x256xf32, #tpu.memory_space<vmem>>, vector<1x4096x256xf32>,
    return
  }
  func.func @transform_0(%arg0: i32) -> i32 {
    %c0_i32 = arith.constant 0 : i32
    %c0_i32_0 = arith.constant 0 : i32
    return %c0_i32 : i32
  }
  func.func @transform_1(%arg0: i32) -> (i32, i32) {
    %c0_i32 = arith.constant 0 : i32
    %c0_i32_0 = arith.constant 0 : i32
    %c0_i32_1 = arith.constant 0 : i32
    return %c0_i32, %c0_i32_0 : i32, i32
  }
  func.func @transform_2(%arg0: i32) -> (i32, i32, i32) {
    %c0_i32 = arith.constant 0 : i32
    %c0_i32_0 = arith.constant 0 : i32
    %c0_i32_1 = arith.constant 0 : i32
    return %arg0, %c0_i32, %c0_i32_0 : i32, i32, i32
  }
}

</mosaic_0001>

<sc_bundles>
// kernel: kernel.4.cloned.1.call-start
scs
__scs_entry_jumppad:
0x0: {  	(pc) =	sbr.rel $0x88, $3  }
0x1: {  	(tag) =	ssettag $0x0;
	lr =	simm.s32 $0x1  }
0x2: {  	[smem:$0x3F9E] =	sst lr;
	_ =	strace $0xD0000000  }
0x3: {  	_ = 	snop  }
0x4: {  	_ = 	snop  }
0x5: {  	_ = 	snop  }
0x6: {  	_ = 	snop  }
0x7: {  	_ = 	snop  }
__scs_overlays_trampoline_lowered:
0x8: {  	[smem:$0x3FAD] =	sst s0  }
0x9: {  	[smem:$0x3FAE] =	sst s1  }
0xa: {  	[smem:$0x3FAF] =	sst s2  }
0xb: {  	[smem:$0x3FB0] =	sst s3  }
0xc: {  	[smem:$0x3FB1] =	sst s4  }
0xd: {  	[smem:$0x3FB2] =	sst s5  }
0xe: {  	[smem:$0x3FB3] =	sst s6  }
0xf: {  	[smem:$0x3FB4] =	sst s7  }
0x10: {  	[smem:$0x3FB5] =	sst s8  }
0x11: {  	[smem:$0x3FB6] =	sst s9;
	s0 =	simm.s32 @!p0 $0x0  }
0x12: {  	s1 =	sld [smem:$0x3F9C];
	s0 =	simm.s32 @p0 $0x1  }
0x13: {  	[smem:$0x3FB7] =	sst s0;
	s0 =	simm.s32 @!p1 $0x0  }
0x14: {  	s2 =	sld [smem:$0x3F9B];
	s0 =	simm.s32 @p1 $0x1  }
0x15: {  	[smem:$0x3FB8] =	sst s0;
	s0 =	simm.s32 @!p2 $0x0  }
0x16: {  	s3 =	sld [smem:$0x3FDB];
	s0 =	simm.s32 @p2 $0x1  }
0x17: {  	s4 =	simm.s32 $0x1BF5;
	[smem:$0x3FBA] =	sst s0  }
0x18: {  	s0 =	sld [smem:$0x3F9D];
	_ =	swait.ge [sflag:s4], $0x0  }
0x19: {  	s7 =	sld [smem:$0x3F9E]  }
0x1a: {  	s8 =	sadd.s32 $0xFFFFE003, lr  }
0x1b: {  	s9 =	sadd.s32 $0xFFFFFEF7, lr;
	s5 =	simm.s32 $0xFFFFFFFF;
	p2 =	slt.u32 s8, $0xFFFFF086  }
0x1c: {  	p1 =	slt.u32 s9, $0xF7A;
	s5 =	simm.s32 @!p2 $0x0  }
0x1d: {  	s5 =	simm.s32 @p1 $0x1;
	p0 =	seq.s32 s7, s2  }
0x1e: {  	s7 =	smul.u32 @!p0 $0xF7A, s2;
	p2 =	seq.s32 @!p0 s5, $0x0  }
0x1f: {  	s9 =	smul.u32 $0xF7A, s1;
	s8 =	simm.s32 @!p0 $0x1BF5;
	p2 =	por !p2, p0  }
0x20: {  	[sflag:s8] =	ssyncset.s32 @!p0 $0xFFFFF086;
	s6 =	sadd.s32 @!p0 s3, s7;
	s7 =	simm.s32 @!p0 $0x108  }
0x21: {  	s3 =	sadd.s32 s3, s9;
	s6 =	sadd.s32 @!p0 $0x88, s6;
	s7 =	simm.s32 @p2 $0x1082  }
0x22: {  	[simem:s7], [sflag:s8] =	dma.local @!p0 [hbm:s6], $0xF7A  }
0x23: {  	s9 =	sor.u32 $0xD0000000, s2;
	s6 =	simm.s32 $0x108;
	_ =	swait.ge @!p0 [sflag:s8], $0x0  }
0x24: {  	s3 =	sadd.s32 $0x88, s3;
	s6 =	simm.s32 @!p1 $0x1082;
	[sflag:s4] =	ssyncset.s32 $0xFFFFF086  }
0x25: {  	[simem:s6], [sflag:s4] =	dma.local [hbm:s3], $0xF7A  }
0x26: {  	[smem:$0x3F9E] =	sst s1;
	(tag) =	ssettag s2;
	_ =	strace s9  }
0x27: {  	s1 =	sld [smem:$0x3FAE]  }
0x28: {  	s2 =	sld [smem:$0x3FAF]  }
0x29: {  	s4 =	sld [smem:$0x3FB1]  }
0x2a: {  	p0 =	seq.s32 s5, $0x0;
	s5 =	sld [smem:$0x3FB2]  }
0x2b: {  	s6 =	sld [smem:$0x3FB3]  }
0x2c: {  	s7 =	sld [smem:$0x3FB4]  }
0x2d: {  	s3 =	simm.s32 $0x108;
	s8 =	sld [smem:$0x3FB5]  }
0x2e: {  	s3 =	simm.s32 @!p0 $0x1082;
	s9 =	sld [smem:$0x3FB6]  }
0x2f: {  	lr =	sadd.s32 s0, s3;
	s0 =	sld [smem:$0x3FAD]  }
0x30: {  	s3 =	sld [smem:$0x3FB0]  }
0x31: {  	[smem:$0x3FB9] =	sst s10  }
0x32: {  	s10 =	sld [smem:$0x3FB7];
	_ =	sdelay $0x3  }
0x33: {  	p0 =	seq.s32 s10, $0x1;
	s10 =	sld [smem:$0x3FB9];
	_ =	sdelay $0x3  }
0x34: {  	[smem:$0x3FB9] =	sst s10  }
0x35: {  	s10 =	sld [smem:$0x3FB8];
	_ =	sdelay $0x3  }
0x36: {  	p1 =	seq.s32 s10, $0x1;
	s10 =	sld [smem:$0x3FB9];
	_ =	sdelay $0x3  }
0x37: {  	[smem:$0x3FB9] =	sst s10  }
0x38: {  	s10 =	sld [smem:$0x3FBA]  }
0x39: {  	_ = 	snop;
	(pc) =	sbr.ind lr, $3  }
0x3a: {  	_ = 	snop  }
0x3b: {  	_ = 	snop  }
0x3c: {  	p2 =	seq.s32 s10, $0x1;
	s10 =	sld [smem:$0x3FB9]  }
0x3d: {  	_ =	shalt  }
0x3e: {  	_ =	shalt  }
0x3f: {  	_ =	shalt  }
0x40: {  	_ =	shalt  }
0x41: {  	_ =	shalt  }
0x42: {  	_ =	shalt  }
0x43: {  	_ =	shalt  }
0x44: {  	_ =	shalt  }
0x45: {  	_ =	shalt  }
0x46: {  	_ =	shalt  }
0x47: {  	_ =	shalt  }
0x48: {  	_ =	shalt  }
0x49: {  	_ =	shalt  }
0x4a: {  	_ =	shalt  }
0x4b: {  	_ =	shalt  }
0x4c: {  	_ =	shalt  }
0x4d: {  	_ =	shalt  }
0x4e: {  	_ =	shalt  }
0x4f: {  	_ =	shalt  }
0x50: {  	_ =	shalt  }
0x51: {  	_ =	shalt  }
0x52: {  	_ =	shalt  }
0x53: {  	_ =	shalt  }
0x54: {  	_ =	shalt  }
0x55: {  	_ =	shalt  }
0x56: {  	_ =	shalt  }
0x57: {  	_ =	shalt  }
0x58: {  	_ =	shalt  }
0x59: {  	_ =	shalt  }
0x5a: {  	_ =	shalt  }
0x5b: {  	_ =	shalt  }
0x5c: {  	_ =	shalt  }
0x5d: {  	_ =	shalt  }
0x5e: {  	_ =	shalt  }
0x5f: {  	_ =	shalt  }
0x60: {  	_ =	shalt  }
0x61: {  	_ =	shalt  }
0x62: {  	_ =	shalt  }
0x63: {  	_ =	shalt  }
0x64: {  	_ =	shalt  }
0x65: {  	_ =	shalt  }
0x66: {  	_ =	shalt  }
0x67: {  	_ =	shalt  }
0x68: {  	_ =	shalt  }
0x69: {  	_ =	shalt  }
0x6a: {  	_ =	shalt  }
0x6b: {  	_ =	shalt  }
0x6c: {  	_ =	shalt  }
0x6d: {  	_ =	shalt  }
0x6e: {  	_ =	shalt  }
0x6f: {  	_ =	shalt  }
0x70: {  	_ =	shalt  }
0x71: {  	_ =	shalt  }
0x72: {  	_ =	shalt  }
0x73: {  	_ =	shalt  }
0x74: {  	_ =	shalt  }
0x75: {  	_ =	shalt  }
0x76: {  	_ =	shalt  }
0x77: {  	_ =	shalt  }
0x78: {  	_ =	shalt  }
0x79: {  	_ =	shalt  }
0x7a: {  	_ =	shalt  }
0x7b: {  	_ =	shalt  }
0x7c: {  	_ =	shalt  }
0x7d: {  	_ =	shalt  }
0x7e: {  	_ =	shalt  }
0x7f: {  	_ =	shalt  }
0x80: {  	_ =	shalt  }
0x81: {  	_ =	shalt  }
0x82: {  	_ =	shalt  }
0x83: {  	_ =	shalt  }
0x84: {  	_ =	shalt  }
0x85: {  	_ =	shalt  }
0x86: {  	_ =	shalt  }
0x87: {  	_ =	shalt  }
.Lfunc_end0:
.L_simem_size_0:
called_computation_lowered:
.L_overlay_start_0:
0x88: {  	s2 =	sld [smem:$0x3FD9]  }
0x89: {  	s3 =	sld [smem:$0x3FFE];
	_ =	sdelay $0x1  }
0x8a: {  	s1 =	srdreg.scid  }
0x8b: {  	s0 =	sand.u32 $0x1, s1  }
0x8c: {  	s17 =	sshll.u32 s0, $0xA;
	s2 =	sadd.s32 s3, s2  }
0x8d: {  	s2 =	sadd.s32 s2, s17  }
0x8e: {  	[smem:$0x3FC5] =	sst s2  }
0x8f: {  	_ = 	snop  }
0x90: {  	s2 =	sld [smem:$0x3FD0];
	(tm) =	ssettm $0x1  }
0x91: {  	s18 =	sld [smem:$0x3FFB];
	_ =	sdelay $0x3  }
0x92: {  	_ =	strace s18  }
0x93: {  	s3 =	sld [smem:$0x3FFC];
	_ =	sdelay $0x3  }
0x94: {  	_ =	strace s3  }
0x95: {  	s3 =	sld [smem:$0x3FFD];
	_ =	sdelay $0x3  }
0x96: {  	_ =	strace s3  }
0x97: {  	_ =	strace $0x8FFFFFFF  }
0x98: {  	s19 =	sld [smem:$0x3FDB];
	_ =	sdelay $0x1  }
0x99: {  	s4 =	simm.s32 $_scs_section_size  }
0x9a: {  	s5 =	simm.s32 $_size__tile_overlayer_lowered;
	s6 =	simm.s32 $_tile_overlayer_lowered  }
0x9b: {  	s22 =	simm.s32 $0x1BFF;
	s21 =	sshll.u32 s6, $0x1;
	s3 =	sadd.s32 s4, s19  }
0x9c: {  	s7 =	simm.s32 $0x0;
	s20 =	sshll.u32 s5, $0x1;
	s5 =	sadd.s32 s21, s3  }
0x9d: {  	[timem:s7], [sflag:s22] =	dma.local [hbm:s5], s20  }
0x9e: {  	_ =	swait.ge [sflag:s22], s20  }
0x9f: {  	s4 =	ssub.s32 $0x0, s20;
	[sflag:s22] =	ssyncset.done $0x0  }
0xa0: {  	[sflag:s22] =	ssyncadd.s32 s4;
	_ =	sdelay $0x1  }
0xa1: {  	s23 =	simm.s32 $0x1B8B  }
0xa2: {  	_ =	swait.ge [sflag:s23], $0x1  }
0xa3: {  	[sflag:s23] =	ssyncset.done $0x0  }
0xa4: {  	s25 =	simm.s32 $0x1B8E;
	s24 =	sld [smem:$0x3FFE];
	[sflag:s23] =	ssyncadd.s32 $0xFFFFFFFF  }
0xa5: {  	s26 =	simm.s32 $execute0_lowered;
	[smem:$0x3FD2] =	sst s25  }
0xa6: {  	s5 =	sshll.u32 s26, $0x1;
	_ =	strace $0x80000046;
	[dreg:$0x1] =	wrdreg $0xFFFFFFFF  }
0xa7: {  	s28 =	simm.s32 $_size_execute0_lowered;
	s3 =	sadd.s32 s3, s5;
	[dreg:$0x0] =	wrdreg $0x0  }
0xa8: {  	s5 =	sshll.u32 s28, $0x1;
	[dreg:$0x2] =	wrdreg s3  }
0xa9: {  	[dreg:$0x3] =	wrdreg s5  }
0xaa: {  	[dreg:$0x4] =	wrdreg $0xC0  }
0xab: {  	_ =	task [dreg:s7], $0x5FFFF  }
0xac: {  	[dreg:$0x1] =	wrdreg $0xFFFFFFFF  }
0xad: {  	[dreg:$0x0] =	wrdreg $0x60  }
0xae: {  	[dreg:$0x2] =	wrdreg s24  }
0xaf: {  	[dreg:$0x3] =	wrdreg s2  }
0xb0: {  	[dreg:$0x4] =	wrdreg $0x0  }
0xb1: {  	[dreg:$0x5] =	wrdreg $0x9  }
0xb2: {  	_ =	task.clear_ibuf [dreg:s7], $0x6FFFF;
	_ =	strace $0x90000046  }
0xb3: {  	s29 =	simm.s32 $0x9;
	_ =	strace $0x80000048  }
0xb4: {  	_ =	swait.ge [sflag:s29], $0x1  }
0xb5: {  	[sflag:s29] =	ssyncadd.s32 $0xFFFFFFFF  }
0xb6: {  	_ =	strace $0x90000048  }
0xb7: {  	_ =	sfence  }
0xb8: {  	s30 =	sld [smem:$0x0];
	_ =	sdelay $0x2  }
0xb9: {  	s31 =	sshll.u32 s1, $0xD;
	s1 =	sshrl.u32 s1, $0x2  }
0xba: {  	s3 =	sand.u32 $0x4000, s31;
	s1 =	sadd.s32 s1, s30  }
0xbb: {  	s0 =	sor.u32 s3, s0;
	s1 =	sshll.u32 s1, $0x11  }
0xbc: {  	s0 =	sor.u32 s1, s0  }
0xbd: {  	s0 =	sadd.s32 $0x8F2B, s0  }
0xbe: {  	[sflag:s0] =	ssyncadd.remote.s32 $0x1  }
0xbf: {  	_ =	sfence.sel $0xFFFF  }
0xc0: {  	[dreg:$0x0] =	wrdreg $0xFFFFFFFF;
	(pc) =	sbr.abs _section_cstart, $3  }
0xc1: {  	[dreg:$0x1] =	wrdreg $0xFFFFFFFF  }
0xc2: {  	_ =	task.clear_ibuf [dreg:s7], $0x2FFFF;
	_ =	strace $0x9FFFFFFF  }
0xc3: {  	(tm) =	ssettm $0x7FFFFFFF  }
tec
execute0_lowered:
.L_overlay_start_1:
0x0: {  	(tag) =	ssettag $0x1  }
0x1: {  	s3 =	rddreg [dreg:$0x0]  }
0x2: {  	s9 =	rddreg [dreg:$0x1]  }
0x3: {  	s1 =	rddreg [dreg:$0x2]  }
0x4: {  	s4 =	srdreg.scid;
	s0 =	rddreg [dreg:$0x3];
	s2 =	simm.s32 $0x0  }
0x5: {  	s18 =	simm.s32 $0x2;
	s7 =	sand.u32 $0x1, s4;
	[smem:$0x7FF] =	sst s2  }
0x6: {  	s8 =	sadd.s32 $0x600, s3;
	s3 =	stileid.u32;
	s4 =	ssub.s32 $0x2, s7  }
0x7: {  	_ =	strace $0x80000047;
	s11 =	sshll.u32 s7, $0x9;
	s26 =	sshll.u32 s3, $0x11  }
0x8: {  	s28 =	sshll.u32 s7, $0xE;
	s6 =	smul.u32 $0xC4000, s3;
	s12 =	sshll.u32 s3, $0x14  }
0x9: {  	s13 =	sshll.u32 s7, $0x11;
	s14 =	sshll.u32 s3, $0x5;
	s15 =	sshll.u32 s7, $0x18  }
0xa: {  	s31 =	sshll.u32 s3, $0xD;
	p0 =	sgt.u32 s3, $0x7;
	s17 =	sshll.u32 s3, $0x6  }
0xb: {  	s5 =	sshrl.u32 s4, $0x1;
	s13 =	ssub.s32 s12, s13;
	s9 =	sadd.s32 s15, s9  }
0xc: {  	s11 =	sor.u32 s11, s14;
	s15 =	sshll.u32 @!p0 s3, $0x6;
	s17 =	sor.u32 $0x1C02, s17  }
0xd: {  	s10 =	ssub.s32 s4, s5;
	s4 =	sadd.s32 s8, s26;
	s6 =	sshrl.u32 s6, $0x2  }
0xe: {  	s29 =	sadd.s32 $0x6F800, s13;
	s30 =	sadd.s32 $0x7F800, s13;
	s13 =	sadd.s32 $0x8F800, s13  }
0xf: {  	s9 =	sadd.s32 s12, s9;
	s11 =	sxor.u32 $0x7FE, s11;
	s15 =	sor.u32 @!p0 $0x1C01, s15  }
0x10: {  	s4 =	ssub.s32 s4, s28;
	s16 =	sadd.s32 s6, s1;
	s5 =	sshrl.u32 s29, $0x3  }
0x11: {  	s6 =	sshrl.u32 s30, $0x3;
	s13 =	sshrl.u32 s13, $0x3;
	s12 =	sadd.s32 $0x2000, s9  }
0x12: {  	s14 =	sadd.s32 $0x6000, s9;
	s4 =	sadd.s32 $0xBF00, s4;
	s5 =	sadd.s32 s8, s5  }
0x13: {  	s6 =	sadd.s32 s8, s6;
	s7 =	sadd.s32 s8, s13;
	s8 =	smax.u32 s10, $0x1  }
0x14: {  	s10 =	ssub.s32 $0x20600, s31;
	s13 =	sadd.s32 $0x4000, s9;
	s16 =	sshrl.u32 @!p0 s16, $0x3  }
.LBB2_1:
0x15: {  	[spmem:s16], [sflag:s15] =	dma.local @!p0 [hbm:s4], $0x6200  }
0x16: {  	s19 =	sadd.s32 $0x0, s11  }
0x17: {  	s20 =	simm.s32 $0x6;
	s21 =	simm.s32 @!p0 $0x1;
	s19 =	sand.u32 $0x7, s19  }
0x18: {  	s30 =	sadd.s32 $0xFFFFFFFF, s11;
	s20 =	sand.u32 $0x7, s20;
	s19 =	smul.u32 $0xC4000, s19  }
0x19: {  	s22 =	simm.s32 $0xFFFFFFFE;
	_ =	swait.ge @!p0 [sflag:s21], $0x6200;
	s20 =	sshll.u32 s20, $0x8  }
0x1a: {  	s31 =	sand.u32 $0x7, s30;
	s20 =	ssub.s32 s10, s20;
	s19 =	sshrl.u32 s19, $0x2  }
0x1b: {  	[sflag:s21] =	ssyncset.done @!p0 $0x0;
	s20 =	sand.u32 $0x7FFFF800, s20;
	s19 =	sadd.s32 s19, s1  }
0x1c: {  	s23 =	smul.u32 $0xC4000, s31;
	[sflag:s21] =	ssyncadd.s32 @!p0 $0xFFFF9E00;
	s19 =	sadd.s32 s20, s19  }
0x1d: {  	[bflag:$0x0] =	sbarrier.arrive $0xFFFF;
	s20 =	simm.s32 $0xD;
	s19 =	sshrl.u32 s19, $0x3  }
0x1e: {  	[hbm:s9], [sflag:s17] =	dma.local [spmem:s19], $0x2000  }
0x1f: {  	s21 =	smov.u32 s10;
	s24 =	sand.u32 $0x7, s20;
	s19 =	smov.u32 s9  }
.LBB2_2:
0x20: {  	p1 =	sne.s32 s22, $0xFFFFFFE1;
	s24 =	sshll.u32 s24, $0x8;
	s21 =	sadd.s32 $0xFFFFFF00, s21  }
0x21: {  	s24 =	ssub.s32 s21, s24;
	s23 =	sshrl.u32 s23, $0x2  }
.Ltmp0:
0x22: {  	s24 =	sand.u32 $0x7FFFF800, s24;
	s23 =	sadd.s32 s23, s1;
	(pc) =	sbr.rel @p1 .LBB2_2-.Ltmp0, $4  }
0x23: {  	s25 =	sadd.s32 s22, s11;
	s19 =	sadd.s32 $0x8000, s19;
	s23 =	sadd.s32 s24, s23  }
0x24: {  	s20 =	sadd.s32 $0x7, s20;
	s25 =	sand.u32 $0x7, s25;
	s23 =	sshrl.u32 s23, $0x3  }
0x25: {  	[hbm:s19], [sflag:s17] =	dma.local [spmem:s23], $0x2000  }
0x26: {  	s22 =	sadd.s32 $0xFFFFFFFF, s22;
	s24 =	sand.u32 $0x7, s20;
	s23 =	smul.u32 $0xC4000, s25  }
0x27: {  	s20 =	sshll.u32 s24, $0x8;
	s21 =	sadd.s32 $0xFFFFFF00, s21  }
0x28: {  	s20 =	ssub.s32 s21, s20;
	s26 =	sshrl.u32 s23, $0x2  }
0x29: {  	s20 =	sand.u32 $0x7FFFF800, s20;
	s21 =	sadd.s32 s26, s1  }
0x2a: {  	s20 =	sadd.s32 s20, s21  }
0x2b: {  	s19 =	sadd.s32 $0x8000, s19;
	s20 =	sshrl.u32 s20, $0x3  }
0x2c: {  	[hbm:s19], [sflag:s17] =	dma.local [spmem:s20], $0x2000  }
0x2d: {  	_ =	swait.ge [sflag:s18], $0x2000  }
0x2e: {  	[sflag:s18] =	ssyncset.done $0x0  }
0x2f: {  	[sflag:s18] =	ssyncadd.s32 $0xFFFFE000  }
0x30: {  	_ =	swait.ge [sflag:s18], $0x2000  }
0x31: {  	[sflag:s18] =	ssyncset.done $0x0  }
0x32: {  	[sflag:s18] =	ssyncadd.s32 $0xFFFFE000  }
0x33: {  	_ =	swait.ge [sflag:s18], $0x2000  }
0x34: {  	[sflag:s18] =	ssyncset.done $0x0  }
0x35: {  	[sflag:s18] =	ssyncadd.s32 $0xFFFFE000  }
0x36: {  	_ =	swait.ge [sflag:s18], $0x2000  }
0x37: {  	[sflag:s18] =	ssyncset.done $0x0  }
0x38: {  	[sflag:s18] =	ssyncadd.s32 $0xFFFFE000  }
0x39: {  	_ =	swait.ge [sflag:s18], $0x2000  }
0x3a: {  	[sflag:s18] =	ssyncset.done $0x0  }
0x3b: {  	[sflag:s18] =	ssyncadd.s32 $0xFFFFE000  }
0x3c: {  	_ =	swait.ge [sflag:s18], $0x2000  }
0x3d: {  	[sflag:s18] =	ssyncset.done $0x0  }
0x3e: {  	[sflag:s18] =	ssyncadd.s32 $0xFFFFE000  }
0x3f: {  	_ =	swait.ge [sflag:s18], $0x2000  }
0x40: {  	[sflag:s18] =	ssyncset.done $0x0  }
0x41: {  	[sflag:s18] =	ssyncadd.s32 $0xFFFFE000  }
0x42: {  	_ =	swait.ge [sflag:s18], $0x2000  }
0x43: {  	[sflag:s18] =	ssyncset.done $0x0  }
0x44: {  	[sflag:s18] =	ssyncadd.s32 $0xFFFFE000  }
0x45: {  	_ =	swait.ge [sflag:s18], $0x2000  }
0x46: {  	[sflag:s18] =	ssyncset.done $0x0  }
0x47: {  	[sflag:s18] =	ssyncadd.s32 $0xFFFFE000  }
0x48: {  	_ =	swait.ge [sflag:s18], $0x2000  }
0x49: {  	[sflag:s18] =	ssyncset.done $0x0  }
0x4a: {  	[sflag:s18] =	ssyncadd.s32 $0xFFFFE000  }
0x4b: {  	_ =	swait.ge [sflag:s18], $0x2000  }
0x4c: {  	[sflag:s18] =	ssyncset.done $0x0  }
0x4d: {  	[sflag:s18] =	ssyncadd.s32 $0xFFFFE000  }
0x4e: {  	_ =	swait.ge [sflag:s18], $0x2000  }
0x4f: {  	[sflag:s18] =	ssyncset.done $0x0  }
0x50: {  	[sflag:s18] =	ssyncadd.s32 $0xFFFFE000  }
0x51: {  	_ =	swait.ge [sflag:s18], $0x2000  }
0x52: {  	[sflag:s18] =	ssyncset.done $0x0  }
0x53: {  	[sflag:s18] =	ssyncadd.s32 $0xFFFFE000  }
0x54: {  	_ =	swait.ge [sflag:s18], $0x2000  }
0x55: {  	[sflag:s18] =	ssyncset.done $0x0  }
0x56: {  	[sflag:s18] =	ssyncadd.s32 $0xFFFFE000  }
0x57: {  	_ =	swait.ge [sflag:s18], $0x2000  }
0x58: {  	[sflag:s18] =	ssyncset.done $0x0  }
0x59: {  	[sflag:s18] =	ssyncadd.s32 $0xFFFFE000  }
0x5a: {  	_ =	swait.ge [sflag:s18], $0x2000  }
0x5b: {  	[sflag:s18] =	ssyncset.done $0x0  }
0x5c: {  	[sflag:s18] =	ssyncadd.s32 $0xFFFFE000  }
0x5d: {  	_ =	swait.ge [sflag:s18], $0x2000  }
0x5e: {  	[sflag:s18] =	ssyncset.done $0x0  }
0x5f: {  	[sflag:s18] =	ssyncadd.s32 $0xFFFFE000  }
0x60: {  	_ =	swait.ge [sflag:s18], $0x2000  }
0x61: {  	[sflag:s18] =	ssyncset.done $0x0  }
0x62: {  	[sflag:s18] =	ssyncadd.s32 $0xFFFFE000  }
0x63: {  	_ =	swait.ge [sflag:s18], $0x2000  }
0x64: {  	[sflag:s18] =	ssyncset.done $0x0  }
0x65: {  	[sflag:s18] =	ssyncadd.s32 $0xFFFFE000  }
0x66: {  	_ =	swait.ge [sflag:s18], $0x2000  }
0x67: {  	[sflag:s18] =	ssyncset.done $0x0  }
0x68: {  	[sflag:s18] =	ssyncadd.s32 $0xFFFFE000  }
0x69: {  	_ =	swait.ge [sflag:s18], $0x2000  }
0x6a: {  	[sflag:s18] =	ssyncset.done $0x0  }
0x6b: {  	[sflag:s18] =	ssyncadd.s32 $0xFFFFE000  }
0x6c: {  	_ =	swait.ge [sflag:s18], $0x2000  }
0x6d: {  	[sflag:s18] =	ssyncset.done $0x0  }
0x6e: {  	[sflag:s18] =	ssyncadd.s32 $0xFFFFE000  }
0x6f: {  	_ =	swait.ge [sflag:s18], $0x2000  }
0x70: {  	[sflag:s18] =	ssyncset.done $0x0  }
0x71: {  	[sflag:s18] =	ssyncadd.s32 $0xFFFFE000  }
0x72: {  	_ =	swait.ge [sflag:s18], $0x2000  }
0x73: {  	[sflag:s18] =	ssyncset.done $0x0  }
0x74: {  	[sflag:s18] =	ssyncadd.s32 $0xFFFFE000  }
0x75: {  	_ =	swait.ge [sflag:s18], $0x2000  }
0x76: {  	[sflag:s18] =	ssyncset.done $0x0  }
0x77: {  	[sflag:s18] =	ssyncadd.s32 $0xFFFFE000  }
0x78: {  	_ =	swait.ge [sflag:s18], $0x2000  }
0x79: {  	[sflag:s18] =	ssyncset.done $0x0  }
0x7a: {  	[sflag:s18] =	ssyncadd.s32 $0xFFFFE000  }
0x7b: {  	_ =	swait.ge [sflag:s18], $0x2000  }
0x7c: {  	[sflag:s18] =	ssyncset.done $0x0  }
0x7d: {  	[sflag:s18] =	ssyncadd.s32 $0xFFFFE000  }
0x7e: {  	_ =	swait.ge [sflag:s18], $0x2000  }
0x7f: {  	[sflag:s18] =	ssyncset.done $0x0  }
0x80: {  	[sflag:s18] =	ssyncadd.s32 $0xFFFFE000  }
0x81: {  	_ =	swait.ge [sflag:s18], $0x2000  }
0x82: {  	[sflag:s18] =	ssyncset.done $0x0  }
0x83: {  	[sflag:s18] =	ssyncadd.s32 $0xFFFFE000  }
0x84: {  	_ =	swait.ge [sflag:s18], $0x2000  }
0x85: {  	[sflag:s18] =	ssyncset.done $0x0  }
0x86: {  	[sflag:s18] =	ssyncadd.s32 $0xFFFFE000  }
0x87: {  	_ =	swait.ge [sflag:s18], $0x2000  }
0x88: {  	[sflag:s18] =	ssyncset.done $0x0  }
0x89: {  	s28 =	sadd.s32 $0x0, s11;
	s29 =	simm.s32 $0x6;
	[sflag:s18] =	ssyncadd.s32 $0xFFFFE000  }
0x8a: {  	s30 =	sadd.s32 $0xFFFFFFFF, s11;
	s22 =	simm.s32 $0xFFFFFFFE;
	_ =	swait.ge [sflag:s18], $0x2000  }
0x8b: {  	s31 =	sand.u32 $0x7, s30;
	s21 =	simm.s32 @!p0 $0x1;
	[sflag:s18] =	ssyncset.done $0x0  }
0x8c: {  	s19 =	sand.u32 $0x7, s28;
	s20 =	sand.u32 $0x7, s29;
	[sflag:s18] =	ssyncadd.s32 $0xFFFFE000  }
0x8d: {  	s19 =	smul.u32 $0xC4000, s19;
	s20 =	sshll.u32 s20, $0x8;
	[bflag:$0x0] =	sbarrier.arrive $0xFFFF  }
0x8e: {  	[spmem:s16], [sflag:s15] =	dma.local @!p0 [hbm:s5], $0x6200  }
0x8f: {  	s20 =	ssub.s32 s10, s20;
	s19 =	sshrl.u32 s19, $0x2;
	_ =	swait.ge @!p0 [sflag:s21], $0x6200  }
0x90: {  	s20 =	sand.u32 $0x7FFFF800, s20;
	s19 =	sadd.s32 s19, s1;
	[sflag:s21] =	ssyncset.done @!p0 $0x0  }
0x91: {  	s23 =	smul.u32 $0xC4000, s31;
	s19 =	sadd.s32 s20, s19;
	[sflag:s21] =	ssyncadd.s32 @!p0 $0xFFFF9E00  }
0x92: {  	s20 =	simm.s32 $0xD;
	s19 =	sshrl.u32 s19, $0x3;
	[bflag:$0x0] =	sbarrier.arrive $0xFFFF  }
0x93: {  	[hbm:s12], [sflag:s17] =	dma.local [spmem:s19], $0x2000  }
0x94: {  	s24 =	sand.u32 $0x7, s20;
	s21 =	smov.u32 s10;
	s19 =	smov.u32 s12  }
.LBB2_4:
0x95: {  	p1 =	sne.s32 s22, $0xFFFFFFE1;
	s24 =	sshll.u32 s24, $0x8;
	s21 =	sadd.s32 $0xFFFFFF00, s21  }
0x96: {  	s24 =	ssub.s32 s21, s24;
	s23 =	sshrl.u32 s23, $0x2  }
.Ltmp1:
0x97: {  	s24 =	sand.u32 $0x7FFFF800, s24;
	s23 =	sadd.s32 s23, s1;
	(pc) =	sbr.rel @p1 .LBB2_4-.Ltmp1, $4  }
0x98: {  	s25 =	sadd.s32 s22, s11;
	s19 =	sadd.s32 $0x8000, s19;
	s23 =	sadd.s32 s24, s23  }
0x99: {  	s20 =	sadd.s32 $0x7, s20;
	s25 =	sand.u32 $0x7, s25;
	s23 =	sshrl.u32 s23, $0x3  }
0x9a: {  	[hbm:s19], [sflag:s17] =	dma.local [spmem:s23], $0x2000  }
0x9b: {  	s22 =	sadd.s32 $0xFFFFFFFF, s22;
	s24 =	sand.u32 $0x7, s20;
	s23 =	smul.u32 $0xC4000, s25  }
0x9c: {  	s20 =	sshll.u32 s24, $0x8;
	s21 =	sadd.s32 $0xFFFFFF00, s21  }
0x9d: {  	s20 =	ssub.s32 s21, s20;
	s26 =	sshrl.u32 s23, $0x2  }
0x9e: {  	s20 =	sand.u32 $0x7FFFF800, s20;
	s21 =	sadd.s32 s26, s1  }
0x9f: {  	s20 =	sadd.s32 s20, s21  }
0xa0: {  	s19 =	sadd.s32 $0x8000, s19;
	s20 =	sshrl.u32 s20, $0x3  }
0xa1: {  	[hbm:s19], [sflag:s17] =	dma.local [spmem:s20], $0x2000  }
0xa2: {  	_ =	swait.ge [sflag:s18], $0x2000  }
0xa3: {  	[sflag:s18] =	ssyncset.done $0x0  }
0xa4: {  	[sflag:s18] =	ssyncadd.s32 $0xFFFFE000  }
0xa5: {  	_ =	swait.ge [sflag:s18], $0x2000  }
0xa6: {  	[sflag:s18] =	ssyncset.done $0x0  }
0xa7: {  	[sflag:s18] =	ssyncadd.s32 $0xFFFFE000  }
0xa8: {  	_ =	swait.ge [sflag:s18], $0x2000  }
0xa9: {  	[sflag:s18] =	ssyncset.done $0x0  }
0xaa: {  	[sflag:s18] =	ssyncadd.s32 $0xFFFFE000  }
0xab: {  	_ =	swait.ge [sflag:s18], $0x2000  }
0xac: {  	[sflag:s18] =	ssyncset.done $0x0  }
0xad: {  	[sflag:s18] =	ssyncadd.s32 $0xFFFFE000  }
0xae: {  	_ =	swait.ge [sflag:s18], $0x2000  }
0xaf: {  	[sflag:s18] =	ssyncset.done $0x0  }
0xb0: {  	[sflag:s18] =	ssyncadd.s32 $0xFFFFE000  }
0xb1: {  	_ =	swait.ge [sflag:s18], $0x2000  }
0xb2: {  	[sflag:s18] =	ssyncset.done $0x0  }
0xb3: {  	[sflag:s18] =	ssyncadd.s32 $0xFFFFE000  }
0xb4: {  	_ =	swait.ge [sflag:s18], $0x2000  }
0xb5: {  	[sflag:s18] =	ssyncset.done $0x0  }
0xb6: {  	[sflag:s18] =	ssyncadd.s32 $0xFFFFE000  }
0xb7: {  	_ =	swait.ge [sflag:s18], $0x2000  }
0xb8: {  	[sflag:s18] =	ssyncset.done $0x0  }
0xb9: {  	[sflag:s18] =	ssyncadd.s32 $0xFFFFE000  }
0xba: {  	_ =	swait.ge [sflag:s18], $0x2000  }
0xbb: {  	[sflag:s18] =	ssyncset.done $0x0  }
0xbc: {  	[sflag:s18] =	ssyncadd.s32 $0xFFFFE000  }
0xbd: {  	_ =	swait.ge [sflag:s18], $0x2000  }
0xbe: {  	[sflag:s18] =	ssyncset.done $0x0  }
0xbf: {  	[sflag:s18] =	ssyncadd.s32 $0xFFFFE000  }
0xc0: {  	_ =	swait.ge [sflag:s18], $0x2000  }
0xc1: {  	[sflag:s18] =	ssyncset.done $0x0  }
0xc2: {  	[sflag:s18] =	ssyncadd.s32 $0xFFFFE000  }
0xc3: {  	_ =	swait.ge [sflag:s18], $0x2000  }
0xc4: {  	[sflag:s18] =	ssyncset.done $0x0  }
0xc5: {  	[sflag:s18] =	ssyncadd.s32 $0xFFFFE000  }
0xc6: {  	_ =	swait.ge [sflag:s18], $0x2000  }
0xc7: {  	[sflag:s18] =	ssyncset.done $0x0  }
0xc8: {  	[sflag:s18] =	ssyncadd.s32 $0xFFFFE000  }
0xc9: {  	_ =	swait.ge [sflag:s18], $0x2000  }
0xca: {  	[sflag:s18] =	ssyncset.done $0x0  }
0xcb: {  	[sflag:s18] =	ssyncadd.s32 $0xFFFFE000  }
0xcc: {  	_ =	swait.ge [sflag:s18], $0x2000  }
0xcd: {  	[sflag:s18] =	ssyncset.done $0x0  }
0xce: {  	[sflag:s18] =	ssyncadd.s32 $0xFFFFE000  }
0xcf: {  	_ =	swait.ge [sflag:s18], $0x2000  }
0xd0: {  	[sflag:s18] =	ssyncset.done $0x0  }
0xd1: {  	[sflag:s18] =	ssyncadd.s32 $0xFFFFE000  }
0xd2: {  	_ =	swait.ge [sflag:s18], $0x2000  }
0xd3: {  	[sflag:s18] =	ssyncset.done $0x0  }
0xd4: {  	[sflag:s18] =	ssyncadd.s32 $0xFFFFE000  }
0xd5: {  	_ =	swait.ge [sflag:s18], $0x2000  }
0xd6: {  	[sflag:s18] =	ssyncset.done $0x0  }
0xd7: {  	[sflag:s18] =	ssyncadd.s32 $0xFFFFE000  }
0xd8: {  	_ =	swait.ge [sflag:s18], $0x2000  }
0xd9: {  	[sflag:s18] =	ssyncset.done $0x0  }
0xda: {  	[sflag:s18] =	ssyncadd.s32 $0xFFFFE000  }
0xdb: {  	_ =	swait.ge [sflag:s18], $0x2000  }
0xdc: {  	[sflag:s18] =	ssyncset.done $0x0  }
0xdd: {  	[sflag:s18] =	ssyncadd.s32 $0xFFFFE000  }
0xde: {  	_ =	swait.ge [sflag:s18], $0x2000  }
0xdf: {  	[sflag:s18] =	ssyncset.done $0x0  }
0xe0: {  	[sflag:s18] =	ssyncadd.s32 $0xFFFFE000  }
0xe1: {  	_ =	swait.ge [sflag:s18], $0x2000  }
0xe2: {  	[sflag:s18] =	ssyncset.done $0x0  }
0xe3: {  	[sflag:s18] =	ssyncadd.s32 $0xFFFFE000  }
0xe4: {  	_ =	swait.ge [sflag:s18], $0x2000  }
0xe5: {  	[sflag:s18] =	ssyncset.done $0x0  }
0xe6: {  	[sflag:s18] =	ssyncadd.s32 $0xFFFFE000  }
0xe7: {  	_ =	swait.ge [sflag:s18], $0x2000  }
0xe8: {  	[sflag:s18] =	ssyncset.done $0x0  }
0xe9: {  	[sflag:s18] =	ssyncadd.s32 $0xFFFFE000  }
0xea: {  	_ =	swait.ge [sflag:s18], $0x2000  }
0xeb: {  	[sflag:s18] =	ssyncset.done $0x0  }
0xec: {  	[sflag:s18] =	ssyncadd.s32 $0xFFFFE000  }
0xed: {  	_ =	swait.ge [sflag:s18], $0x2000  }
0xee: {  	[sflag:s18] =	ssyncset.done $0x0  }
0xef: {  	[sflag:s18] =	ssyncadd.s32 $0xFFFFE000  }
0xf0: {  	_ =	swait.ge [sflag:s18], $0x2000  }
0xf1: {  	[sflag:s18] =	ssyncset.done $0x0  }
0xf2: {  	[sflag:s18] =	ssyncadd.s32 $0xFFFFE000  }
0xf3: {  	_ =	swait.ge [sflag:s18], $0x2000  }
0xf4: {  	[sflag:s18] =	ssyncset.done $0x0  }
0xf5: {  	[sflag:s18] =	ssyncadd.s32 $0xFFFFE000  }
0xf6: {  	_ =	swait.ge [sflag:s18], $0x2000  }
0xf7: {  	[sflag:s18] =	ssyncset.done $0x0  }
0xf8: {  	[sflag:s18] =	ssyncadd.s32 $0xFFFFE000  }
0xf9: {  	_ =	swait.ge [sflag:s18], $0x2000  }
0xfa: {  	[sflag:s18] =	ssyncset.done $0x0  }
0xfb: {  	[sflag:s18] =	ssyncadd.s32 $0xFFFFE000  }
0xfc: {  	_ =	swait.ge [sflag:s18], $0x2000  }
0xfd: {  	[sflag:s18] =	ssyncset.done $0x0  }
0xfe: {  	s28 =	sadd.s32 $0x0, s11;
	s29 =	simm.s32 $0x6;
	[sflag:s18] =	ssyncadd.s32 $0xFFFFE000  }
0xff: {  	s30 =	sadd.s32 $0xFFFFFFFF, s11;
	s22 =	simm.s32 $0xFFFFFFFE;
	_ =	swait.ge [sflag:s18], $0x2000  }
0x100: {  	s31 =	sand.u32 $0x7, s30;
	s21 =	simm.s32 @!p0 $0x1;
	[sflag:s18] =	ssyncset.done $0x0  }
0x101: {  	s19 =	sand.u32 $0x7, s28;
	s20 =	sand.u32 $0x7, s29;
	[sflag:s18] =	ssyncadd.s32 $0xFFFFE000  }
0x102: {  	s19 =	smul.u32 $0xC4000, s19;
	s20 =	sshll.u32 s20, $0x8;
	[bflag:$0x0] =	sbarrier.arrive $0xFFFF  }
0x103: {  	[spmem:s16], [sflag:s15] =	dma.local @!p0 [hbm:s6], $0x6200  }
0x104: {  	s20 =	ssub.s32 s10, s20;
	s19 =	sshrl.u32 s19, $0x2;
	_ =	swait.ge @!p0 [sflag:s21], $0x6200  }
0x105: {  	s20 =	sand.u32 $0x7FFFF800, s20;
	s19 =	sadd.s32 s19, s1;
	[sflag:s21] =	ssyncset.done @!p0 $0x0  }
0x106: {  	s23 =	smul.u32 $0xC4000, s31;
	s19 =	sadd.s32 s20, s19;
	[sflag:s21] =	ssyncadd.s32 @!p0 $0xFFFF9E00  }
0x107: {  	s20 =	simm.s32 $0xD;
	s19 =	sshrl.u32 s19, $0x3;
	[bflag:$0x0] =	sbarrier.arrive $0xFFFF  }
0x108: {  	[hbm:s13], [sflag:s17] =	dma.local [spmem:s19], $0x2000  }
0x109: {  	s24 =	sand.u32 $0x7, s20;
	s21 =	smov.u32 s10;
	s19 =	smov.u32 s13  }
.LBB2_6:
0x10a: {  	p1 =	sne.s32 s22, $0xFFFFFFE1;
	s24 =	sshll.u32 s24, $0x8;
	s21 =	sadd.s32 $0xFFFFFF00, s21  }
0x10b: {  	s24 =	ssub.s32 s21, s24;
	s23 =	sshrl.u32 s23, $0x2  }
.Ltmp2:
0x10c: {  	s24 =	sand.u32 $0x7FFFF800, s24;
	s23 =	sadd.s32 s23, s1;
	(pc) =	sbr.rel @p1 .LBB2_6-.Ltmp2, $4  }
0x10d: {  	s25 =	sadd.s32 s22, s11;
	s19 =	sadd.s32 $0x8000, s19;
	s23 =	sadd.s32 s24, s23  }
0x10e: {  	s20 =	sadd.s32 $0x7, s20;
	s25 =	sand.u32 $0x7, s25;
	s23 =	sshrl.u32 s23, $0x3  }
0x10f: {  	[hbm:s19], [sflag:s17] =	dma.local [spmem:s23], $0x2000  }
0x110: {  	s22 =	sadd.s32 $0xFFFFFFFF, s22;
	s24 =	sand.u32 $0x7, s20;
	s23 =	smul.u32 $0xC4000, s25  }
0x111: {  	s20 =	sshll.u32 s24, $0x8;
	s21 =	sadd.s32 $0xFFFFFF00, s21  }
0x112: {  	s20 =	ssub.s32 s21, s20;
	s26 =	sshrl.u32 s23, $0x2  }
0x113: {  	s20 =	sand.u32 $0x7FFFF800, s20;
	s21 =	sadd.s32 s26, s1  }
0x114: {  	s20 =	sadd.s32 s20, s21  }
0x115: {  	s19 =	sadd.s32 $0x8000, s19;
	s20 =	sshrl.u32 s20, $0x3  }
0x116: {  	[hbm:s19], [sflag:s17] =	dma.local [spmem:s20], $0x2000  }
0x117: {  	_ =	swait.ge [sflag:s18], $0x2000  }
0x118: {  	[sflag:s18] =	ssyncset.done $0x0  }
0x119: {  	[sflag:s18] =	ssyncadd.s32 $0xFFFFE000  }
0x11a: {  	_ =	swait.ge [sflag:s18], $0x2000  }
0x11b: {  	[sflag:s18] =	ssyncset.done $0x0  }
0x11c: {  	[sflag:s18] =	ssyncadd.s32 $0xFFFFE000  }
0x11d: {  	_ =	swait.ge [sflag:s18], $0x2000  }
0x11e: {  	[sflag:s18] =	ssyncset.done $0x0  }
0x11f: {  	[sflag:s18] =	ssyncadd.s32 $0xFFFFE000  }
0x120: {  	_ =	swait.ge [sflag:s18], $0x2000  }
0x121: {  	[sflag:s18] =	ssyncset.done $0x0  }
0x122: {  	[sflag:s18] =	ssyncadd.s32 $0xFFFFE000  }
0x123: {  	_ =	swait.ge [sflag:s18], $0x2000  }
0x124: {  	[sflag:s18] =	ssyncset.done $0x0  }
0x125: {  	[sflag:s18] =	ssyncadd.s32 $0xFFFFE000  }
0x126: {  	_ =	swait.ge [sflag:s18], $0x2000  }
0x127: {  	[sflag:s18] =	ssyncset.done $0x0  }
0x128: {  	[sflag:s18] =	ssyncadd.s32 $0xFFFFE000  }
0x129: {  	_ =	swait.ge [sflag:s18], $0x2000  }
0x12a: {  	[sflag:s18] =	ssyncset.done $0x0  }
0x12b: {  	[sflag:s18] =	ssyncadd.s32 $0xFFFFE000  }
0x12c: {  	_ =	swait.ge [sflag:s18], $0x2000  }
0x12d: {  	[sflag:s18] =	ssyncset.done $0x0  }
0x12e: {  	[sflag:s18] =	ssyncadd.s32 $0xFFFFE000  }
0x12f: {  	_ =	swait.ge [sflag:s18], $0x2000  }
0x130: {  	[sflag:s18] =	ssyncset.done $0x0  }
0x131: {  	[sflag:s18] =	ssyncadd.s32 $0xFFFFE000  }
0x132: {  	_ =	swait.ge [sflag:s18], $0x2000  }
0x133: {  	[sflag:s18] =	ssyncset.done $0x0  }
0x134: {  	[sflag:s18] =	ssyncadd.s32 $0xFFFFE000  }
0x135: {  	_ =	swait.ge [sflag:s18], $0x2000  }
0x136: {  	[sflag:s18] =	ssyncset.done $0x0  }
0x137: {  	[sflag:s18] =	ssyncadd.s32 $0xFFFFE000  }
0x138: {  	_ =	swait.ge [sflag:s18], $0x2000  }
0x139: {  	[sflag:s18] =	ssyncset.done $0x0  }
0x13a: {  	[sflag:s18] =	ssyncadd.s32 $0xFFFFE000  }
0x13b: {  	_ =	swait.ge [sflag:s18], $0x2000  }
0x13c: {  	[sflag:s18] =	ssyncset.done $0x0  }
0x13d: {  	[sflag:s18] =	ssyncadd.s32 $0xFFFFE000  }
0x13e: {  	_ =	swait.ge [sflag:s18], $0x2000  }
0x13f: {  	[sflag:s18] =	ssyncset.done $0x0  }
0x140: {  	[sflag:s18] =	ssyncadd.s32 $0xFFFFE000  }
0x141: {  	_ =	swait.ge [sflag:s18], $0x2000  }
0x142: {  	[sflag:s18] =	ssyncset.done $0x0  }
0x143: {  	[sflag:s18] =	ssyncadd.s32 $0xFFFFE000  }
0x144: {  	_ =	swait.ge [sflag:s18], $0x2000  }
0x145: {  	[sflag:s18] =	ssyncset.done $0x0  }
0x146: {  	[sflag:s18] =	ssyncadd.s32 $0xFFFFE000  }
0x147: {  	_ =	swait.ge [sflag:s18], $0x2000  }
0x148: {  	[sflag:s18] =	ssyncset.done $0x0  }
0x149: {  	[sflag:s18] =	ssyncadd.s32 $0xFFFFE000  }
0x14a: {  	_ =	swait.ge [sflag:s18], $0x2000  }
0x14b: {  	[sflag:s18] =	ssyncset.done $0x0  }
0x14c: {  	[sflag:s18] =	ssyncadd.s32 $0xFFFFE000  }
0x14d: {  	_ =	swait.ge [sflag:s18], $0x2000  }
0x14e: {  	[sflag:s18] =	ssyncset.done $0x0  }
0x14f: {  	[sflag:s18] =	ssyncadd.s32 $0xFFFFE000  }
0x150: {  	_ =	swait.ge [sflag:s18], $0x2000  }
0x151: {  	[sflag:s18] =	ssyncset.done $0x0  }
0x152: {  	[sflag:s18] =	ssyncadd.s32 $0xFFFFE000  }
0x153: {  	_ =	swait.ge [sflag:s18], $0x2000  }
0x154: {  	[sflag:s18] =	ssyncset.done $0x0  }
0x155: {  	[sflag:s18] =	ssyncadd.s32 $0xFFFFE000  }
0x156: {  	_ =	swait.ge [sflag:s18], $0x2000  }
0x157: {  	[sflag:s18] =	ssyncset.done $0x0  }
0x158: {  	[sflag:s18] =	ssyncadd.s32 $0xFFFFE000  }
0x159: {  	_ =	swait.ge [sflag:s18], $0x2000  }
0x15a: {  	[sflag:s18] =	ssyncset.done $0x0  }
0x15b: {  	[sflag:s18] =	ssyncadd.s32 $0xFFFFE000  }
0x15c: {  	_ =	swait.ge [sflag:s18], $0x2000  }
0x15d: {  	[sflag:s18] =	ssyncset.done $0x0  }
0x15e: {  	[sflag:s18] =	ssyncadd.s32 $0xFFFFE000  }
0x15f: {  	_ =	swait.ge [sflag:s18], $0x2000  }
0x160: {  	[sflag:s18] =	ssyncset.done $0x0  }
0x161: {  	[sflag:s18] =	ssyncadd.s32 $0xFFFFE000  }
0x162: {  	_ =	swait.ge [sflag:s18], $0x2000  }
0x163: {  	[sflag:s18] =	ssyncset.done $0x0  }
0x164: {  	[sflag:s18] =	ssyncadd.s32 $0xFFFFE000  }
0x165: {  	_ =	swait.ge [sflag:s18], $0x2000  }
0x166: {  	[sflag:s18] =	ssyncset.done $0x0  }
0x167: {  	[sflag:s18] =	ssyncadd.s32 $0xFFFFE000  }
0x168: {  	_ =	swait.ge [sflag:s18], $0x2000  }
0x169: {  	[sflag:s18] =	ssyncset.done $0x0  }
0x16a: {  	[sflag:s18] =	ssyncadd.s32 $0xFFFFE000  }
0x16b: {  	_ =	swait.ge [sflag:s18], $0x2000  }
0x16c: {  	[sflag:s18] =	ssyncset.done $0x0  }
0x16d: {  	[sflag:s18] =	ssyncadd.s32 $0xFFFFE000  }
0x16e: {  	_ =	swait.ge [sflag:s18], $0x2000  }
0x16f: {  	[sflag:s18] =	ssyncset.done $0x0  }
0x170: {  	[sflag:s18] =	ssyncadd.s32 $0xFFFFE000  }
0x171: {  	_ =	swait.ge [sflag:s18], $0x2000  }
0x172: {  	[sflag:s18] =	ssyncset.done $0x0  }
0x173: {  	s28 =	sadd.s32 $0x0, s11;
	s29 =	simm.s32 $0x6;
	[sflag:s18] =	ssyncadd.s32 $0xFFFFE000  }
0x174: {  	s30 =	sadd.s32 $0xFFFFFFFF, s11;
	s22 =	simm.s32 $0xFFFFFFFE;
	_ =	swait.ge [sflag:s18], $0x2000  }
0x175: {  	s31 =	sand.u32 $0x7, s30;
	s21 =	simm.s32 @!p0 $0x1;
	[sflag:s18] =	ssyncset.done $0x0  }
0x176: {  	s19 =	sand.u32 $0x7, s28;
	s20 =	sand.u32 $0x7, s29;
	[sflag:s18] =	ssyncadd.s32 $0xFFFFE000  }
0x177: {  	s19 =	smul.u32 $0xC4000, s19;
	s20 =	sshll.u32 s20, $0x8;
	[bflag:$0x0] =	sbarrier.arrive $0xFFFF  }
0x178: {  	[spmem:s16], [sflag:s15] =	dma.local @!p0 [hbm:s7], $0x6200  }
0x179: {  	s20 =	ssub.s32 s10, s20;
	s19 =	sshrl.u32 s19, $0x2;
	_ =	swait.ge @!p0 [sflag:s21], $0x6200  }
0x17a: {  	s20 =	sand.u32 $0x7FFFF800, s20;
	s19 =	sadd.s32 s19, s1;
	[sflag:s21] =	ssyncset.done @!p0 $0x0  }
0x17b: {  	s23 =	smul.u32 $0xC4000, s31;
	s19 =	sadd.s32 s20, s19;
	[sflag:s21] =	ssyncadd.s32 @!p0 $0xFFFF9E00  }
0x17c: {  	s20 =	simm.s32 $0xD;
	s19 =	sshrl.u32 s19, $0x3;
	[bflag:$0x0] =	sbarrier.arrive $0xFFFF  }
0x17d: {  	[hbm:s14], [sflag:s17] =	dma.local [spmem:s19], $0x2000  }
0x17e: {  	s24 =	sand.u32 $0x7, s20;
	s21 =	smov.u32 s10;
	s19 =	smov.u32 s14  }
.LBB2_8:
0x17f: {  	p1 =	sne.s32 s22, $0xFFFFFFE1;
	s24 =	sshll.u32 s24, $0x8;
	s21 =	sadd.s32 $0xFFFFFF00, s21  }
0x180: {  	s24 =	ssub.s32 s21, s24;
	s23 =	sshrl.u32 s23, $0x2  }
.Ltmp3:
0x181: {  	s24 =	sand.u32 $0x7FFFF800, s24;
	s23 =	sadd.s32 s23, s1;
	(pc) =	sbr.rel @p1 .LBB2_8-.Ltmp3, $4  }
0x182: {  	s25 =	sadd.s32 s22, s11;
	s19 =	sadd.s32 $0x8000, s19;
	s23 =	sadd.s32 s24, s23  }
0x183: {  	s20 =	sadd.s32 $0x7, s20;
	s25 =	sand.u32 $0x7, s25;
	s23 =	sshrl.u32 s23, $0x3  }
0x184: {  	[hbm:s19], [sflag:s17] =	dma.local [spmem:s23], $0x2000  }
0x185: {  	s22 =	sadd.s32 $0xFFFFFFFF, s22;
	s24 =	sand.u32 $0x7, s20;
	s23 =	smul.u32 $0xC4000, s25  }
0x186: {  	s20 =	sshll.u32 s24, $0x8;
	s21 =	sadd.s32 $0xFFFFFF00, s21  }
0x187: {  	s20 =	ssub.s32 s21, s20;
	s31 =	sshrl.u32 s23, $0x2  }
0x188: {  	s20 =	sand.u32 $0x7FFFF800, s20;
	s21 =	sadd.s32 s31, s1  }
0x189: {  	s20 =	sadd.s32 s20, s21  }
0x18a: {  	s19 =	sadd.s32 $0x8000, s19;
	s20 =	sshrl.u32 s20, $0x3  }
0x18b: {  	[hbm:s19], [sflag:s17] =	dma.local [spmem:s20], $0x2000  }
0x18c: {  	_ =	swait.ge [sflag:s18], $0x2000  }
0x18d: {  	[sflag:s18] =	ssyncset.done $0x0  }
0x18e: {  	[sflag:s18] =	ssyncadd.s32 $0xFFFFE000  }
0x18f: {  	_ =	swait.ge [sflag:s18], $0x2000  }
0x190: {  	[sflag:s18] =	ssyncset.done $0x0  }
0x191: {  	[sflag:s18] =	ssyncadd.s32 $0xFFFFE000  }
0x192: {  	_ =	swait.ge [sflag:s18], $0x2000  }
0x193: {  	[sflag:s18] =	ssyncset.done $0x0  }
0x194: {  	[sflag:s18] =	ssyncadd.s32 $0xFFFFE000  }
0x195: {  	_ =	swait.ge [sflag:s18], $0x2000  }
0x196: {  	[sflag:s18] =	ssyncset.done $0x0  }
0x197: {  	[sflag:s18] =	ssyncadd.s32 $0xFFFFE000  }
0x198: {  	_ =	swait.ge [sflag:s18], $0x2000  }
0x199: {  	[sflag:s18] =	ssyncset.done $0x0  }
0x19a: {  	[sflag:s18] =	ssyncadd.s32 $0xFFFFE000  }
0x19b: {  	_ =	swait.ge [sflag:s18], $0x2000  }
0x19c: {  	[sflag:s18] =	ssyncset.done $0x0  }
0x19d: {  	[sflag:s18] =	ssyncadd.s32 $0xFFFFE000  }
0x19e: {  	_ =	swait.ge [sflag:s18], $0x2000  }
0x19f: {  	[sflag:s18] =	ssyncset.done $0x0  }
0x1a0: {  	[sflag:s18] =	ssyncadd.s32 $0xFFFFE000  }
0x1a1: {  	_ =	swait.ge [sflag:s18], $0x2000  }
0x1a2: {  	[sflag:s18] =	ssyncset.done $0x0  }
0x1a3: {  	[sflag:s18] =	ssyncadd.s32 $0xFFFFE000  }
0x1a4: {  	_ =	swait.ge [sflag:s18], $0x2000  }
0x1a5: {  	[sflag:s18] =	ssyncset.done $0x0  }
0x1a6: {  	[sflag:s18] =	ssyncadd.s32 $0xFFFFE000  }
0x1a7: {  	_ =	swait.ge [sflag:s18], $0x2000  }
0x1a8: {  	[sflag:s18] =	ssyncset.done $0x0  }
0x1a9: {  	[sflag:s18] =	ssyncadd.s32 $0xFFFFE000  }
0x1aa: {  	_ =	swait.ge [sflag:s18], $0x2000  }
0x1ab: {  	[sflag:s18] =	ssyncset.done $0x0  }
0x1ac: {  	[sflag:s18] =	ssyncadd.s32 $0xFFFFE000  }
0x1ad: {  	_ =	swait.ge [sflag:s18], $0x2000  }
0x1ae: {  	[sflag:s18] =	ssyncset.done $0x0  }
0x1af: {  	[sflag:s18] =	ssyncadd.s32 $0xFFFFE000  }
0x1b0: {  	_ =	swait.ge [sflag:s18], $0x2000  }
0x1b1: {  	[sflag:s18] =	ssyncset.done $0x0  }
0x1b2: {  	[sflag:s18] =	ssyncadd.s32 $0xFFFFE000  }
0x1b3: {  	_ =	swait.ge [sflag:s18], $0x2000  }
0x1b4: {  	[sflag:s18] =	ssyncset.done $0x0  }
0x1b5: {  	[sflag:s18] =	ssyncadd.s32 $0xFFFFE000  }
0x1b6: {  	_ =	swait.ge [sflag:s18], $0x2000  }
0x1b7: {  	[sflag:s18] =	ssyncset.done $0x0  }
0x1b8: {  	[sflag:s18] =	ssyncadd.s32 $0xFFFFE000  }
0x1b9: {  	_ =	swait.ge [sflag:s18], $0x2000  }
0x1ba: {  	[sflag:s18] =	ssyncset.done $0x0  }
0x1bb: {  	[sflag:s18] =	ssyncadd.s32 $0xFFFFE000  }
0x1bc: {  	_ =	swait.ge [sflag:s18], $0x2000  }
0x1bd: {  	[sflag:s18] =	ssyncset.done $0x0  }
0x1be: {  	[sflag:s18] =	ssyncadd.s32 $0xFFFFE000  }
0x1bf: {  	_ =	swait.ge [sflag:s18], $0x2000  }
0x1c0: {  	[sflag:s18] =	ssyncset.done $0x0  }
0x1c1: {  	[sflag:s18] =	ssyncadd.s32 $0xFFFFE000  }
0x1c2: {  	_ =	swait.ge [sflag:s18], $0x2000  }
0x1c3: {  	[sflag:s18] =	ssyncset.done $0x0  }
0x1c4: {  	[sflag:s18] =	ssyncadd.s32 $0xFFFFE000  }
0x1c5: {  	_ =	swait.ge [sflag:s18], $0x2000  }
0x1c6: {  	[sflag:s18] =	ssyncset.done $0x0  }
0x1c7: {  	[sflag:s18] =	ssyncadd.s32 $0xFFFFE000  }
0x1c8: {  	_ =	swait.ge [sflag:s18], $0x2000  }
0x1c9: {  	[sflag:s18] =	ssyncset.done $0x0  }
0x1ca: {  	[sflag:s18] =	ssyncadd.s32 $0xFFFFE000  }
0x1cb: {  	_ =	swait.ge [sflag:s18], $0x2000  }
0x1cc: {  	[sflag:s18] =	ssyncset.done $0x0  }
0x1cd: {  	[sflag:s18] =	ssyncadd.s32 $0xFFFFE000  }
0x1ce: {  	_ =	swait.ge [sflag:s18], $0x2000  }
0x1cf: {  	[sflag:s18] =	ssyncset.done $0x0  }
0x1d0: {  	[sflag:s18] =	ssyncadd.s32 $0xFFFFE000  }
0x1d1: {  	_ =	swait.ge [sflag:s18], $0x2000  }
0x1d2: {  	[sflag:s18] =	ssyncset.done $0x0  }
0x1d3: {  	[sflag:s18] =	ssyncadd.s32 $0xFFFFE000  }
0x1d4: {  	_ =	swait.ge [sflag:s18], $0x2000  }
0x1d5: {  	[sflag:s18] =	ssyncset.done $0x0  }
0x1d6: {  	[sflag:s18] =	ssyncadd.s32 $0xFFFFE000  }
0x1d7: {  	_ =	swait.ge [sflag:s18], $0x2000  }
0x1d8: {  	[sflag:s18] =	ssyncset.done $0x0  }
0x1d9: {  	[sflag:s18] =	ssyncadd.s32 $0xFFFFE000  }
0x1da: {  	_ =	swait.ge [sflag:s18], $0x2000  }
0x1db: {  	[sflag:s18] =	ssyncset.done $0x0  }
0x1dc: {  	[sflag:s18] =	ssyncadd.s32 $0xFFFFE000  }
0x1dd: {  	_ =	swait.ge [sflag:s18], $0x2000  }
0x1de: {  	[sflag:s18] =	ssyncset.done $0x0  }
0x1df: {  	[sflag:s18] =	ssyncadd.s32 $0xFFFFE000  }
0x1e0: {  	_ =	swait.ge [sflag:s18], $0x2000  }
0x1e1: {  	[sflag:s18] =	ssyncset.done $0x0  }
0x1e2: {  	[sflag:s18] =	ssyncadd.s32 $0xFFFFE000  }
0x1e3: {  	_ =	swait.ge [sflag:s18], $0x2000  }
0x1e4: {  	[sflag:s18] =	ssyncset.done $0x0  }
0x1e5: {  	[sflag:s18] =	ssyncadd.s32 $0xFFFFE000  }
0x1e6: {  	_ =	swait.ge [sflag:s18], $0x2000  }
0x1e7: {  	s2 =	sadd.s32 $0x1, s2;
	[sflag:s18] =	ssyncset.done $0x0  }
0x1e8: {  	p1 =	sne.s32 s2, s8;
	[sflag:s18] =	ssyncadd.s32 $0xFFFFE000  }
.Ltmp4:
0x1e9: {  	_ =	swait.ge [sflag:s18], $0x2000;
	(pc) =	sbr.rel @p1 .LBB2_1-.Ltmp4, $3  }
0x1ea: {  	[sflag:s18] =	ssyncset.done $0x0  }
0x1eb: {  	[sflag:s18] =	ssyncadd.s32 $0xFFFFE000  }
0x1ec: {  	[bflag:$0x0] =	sbarrier.arrive $0xFFFF;
	_ =	sdelay $0x1  }
0x1ed: {  	_ =	sfence.sel $0x180000  }
0x1ee: {  	[bflag:$0x0] =	sbarrier.arrive $0xFFFF  }
0x1ef: {  	p0 =	sne.s32 s3, $0x0;
	_ =	strace $0x90000047  }
0x1f0: {  	s0 =	sadd.s32 @!p0 $0x100000, s0;
	[bflag:$0x2] =	sbarrier.arrive $0xFFFF  }
0x1f1: {  	[sflag:s0] =	ssyncadd.tile.s32 @!p0 $0x1;
	_ =	shalt  }
.Lfunc_end2:
_tile_overlayer_lowered:
.L_overlay_start_2:
0x1f2: {  	(tag) =	ssettag $0x2  }
0x1f3: {  	s0 =	rddreg [dreg:$0x0];
	s2 =	stileid.u32  }
0x1f4: {  	s1 =	rddreg [dreg:$0x1];
	p0 =	sne.s32 s2, $0x0  }
0x1f5: {  	s3 =	rddreg [dreg:$0x2];
	[bflag:$0x3] =	sbarrier.arrive $0xFFFF;
	s2 =	simm.s32 @!p0 $0x1C03  }
0x1f6: {  	[timem:s3], [sflag:s2] =	dma.local @!p0 [hbm:s0], s1  }
0x1f7: {  	s0 =	simm.s32 @!p0 $0x3  }
0x1f8: {  	_ =	swait.ge @!p0 [sflag:s0], s1  }
0x1f9: {  	s1 =	ssub.s32 @!p0 $0x0, s1;
	[sflag:s0] =	ssyncset.done @!p0 $0x0  }
0x1fa: {  	[sflag:s0] =	ssyncadd.s32 @!p0 s1  }
0x1fb: {  	[bflag:$0x3] =	sbarrier.arrive $0xFFFF  }
0x1fc: {  	_ =	shalt  }

</sc_bundles>
